<compile_context>
chip_gen: v7x
topology: tpu7x:2x2x1
jax: 0.10.2.dev20260603
libtpu: 0.0.44.dev20260713+nightly
codegen_flags: <defaults>
</compile_context>

<pallas_src>
import functools

import jax
import jax.numpy as jnp
from jax import lax
from jax.experimental import pallas as pl
from jax.experimental.pallas import tpu as pltpu
from jax.experimental.pallas import tpu_sc as plsc

N = 10000
MP = 10240
F = 500
D = 16
E = 160000
NW = 32
CH = 125
NCH = 40
RPT = MP // 16
DW = 16

_MESH = plsc.VectorSubcoreMesh(
    core_axis_name="c", subcore_axis_name="s", num_cores=2, num_subcores=16
)
_SC_PARAMS = pltpu.CompilerParams(use_tc_tiling_on_sc=False)



@functools.partial(
    pl.kernel,
    out_type=jax.ShapeDtypeStruct((2, MP, DW), jnp.float32),
    mesh=_MESH,
    scratch_types=[
        pltpu.VMEM((NCH, CH), jnp.int32),
        pltpu.VMEM((CH, DW), jnp.float32),
        pltpu.SemaphoreType.DMA,
        pltpu.MemorySpace.VMEM_SHARED((MP, DW), jnp.float32),
    ],
    compiler_params=_SC_PARAMS,
)
def _sc_deg(edge_hbm, zeros_hbm, ones_hbm, out_hbm, dst_v, ones_v, sem, acc_sh):
    cid = lax.axis_index("c")
    sid = lax.axis_index("s")
    wid = cid * 16 + sid
    rbase = sid * RPT
    pltpu.sync_copy(zeros_hbm.at[pl.ds(rbase, RPT)], acc_sh.at[pl.ds(rbase, RPT)])
    pltpu.sync_copy(ones_hbm, ones_v)
    pltpu.sync_copy(edge_hbm.at[1, wid], dst_v)
    plsc.subcore_barrier()

    def fire(j, carry):
        pltpu.async_copy(ones_v, acc_sh.at[dst_v.at[j]], sem, add=True)
        return carry

    def drain(j, carry):
        pltpu.make_async_copy(ones_v, acc_sh.at[dst_v.at[0]], sem).wait()
        return carry

    lax.fori_loop(0, NCH, fire, 0)
    lax.fori_loop(0, NCH, drain, 0)
    plsc.subcore_barrier()
    pltpu.sync_copy(acc_sh.at[pl.ds(rbase, RPT)], out_hbm.at[cid, pl.ds(rbase, RPT)])


@functools.partial(
    pl.kernel,
    out_type=jax.ShapeDtypeStruct((2, MP, D), jnp.float32),
    mesh=_MESH,
    scratch_types=[
        pltpu.VMEM((NCH, CH), jnp.int32),
        pltpu.VMEM((NCH, CH), jnp.int32),
        pltpu.VMEM((NCH * CH, D), jnp.float32),
        pltpu.SemaphoreType.DMA,
        pltpu.SemaphoreType.DMA,
        pltpu.MemorySpace.VMEM_SHARED((MP, D), jnp.float32),
        pltpu.MemorySpace.VMEM_SHARED((MP, D), jnp.float32),
    ],
    compiler_params=_SC_PARAMS,
)
def _sc_agg(g_hbm, edge_hbm, zeros_hbm, out_hbm,
            src_v, dst_v, big, sem_g, sem_s, acc_sh, g_sh):
    cid = lax.axis_index("c")
    sid = lax.axis_index("s")
    wid = cid * 16 + sid
    rbase = sid * RPT
    pltpu.sync_copy(zeros_hbm.at[pl.ds(rbase, RPT)], acc_sh.at[pl.ds(rbase, RPT)])
    pltpu.sync_copy(g_hbm.at[pl.ds(rbase, RPT)], g_sh.at[pl.ds(rbase, RPT)])
    pltpu.sync_copy(edge_hbm.at[0, wid], src_v)
    pltpu.sync_copy(edge_hbm.at[1, wid], dst_v)
    plsc.subcore_barrier()

    def fire_g(j, carry):
        pltpu.async_copy(g_sh.at[src_v.at[j]], big.at[pl.ds(j * CH, CH)], sem_g)
        return carry

    def drain_g(j, carry):
        pltpu.make_async_copy(
            g_sh.at[src_v.at[0]], big.at[pl.ds(0, CH)], sem_g).wait()
        return carry

    def fire_s(j, carry):
        pltpu.async_copy(
            big.at[pl.ds(j * CH, CH)], acc_sh.at[dst_v.at[j]], sem_s, add=True)
        return carry

    def drain_s(j, carry):
        pltpu.make_async_copy(
            big.at[pl.ds(0, CH)], acc_sh.at[dst_v.at[0]], sem_s).wait()
        return carry

    lax.fori_loop(0, NCH, fire_g, 0)
    lax.fori_loop(0, NCH, drain_g, 0)
    lax.fori_loop(0, NCH, fire_s, 0)
    lax.fori_loop(0, NCH, drain_s, 0)
    plsc.subcore_barrier()
    pltpu.sync_copy(acc_sh.at[pl.ds(rbase, RPT)], out_hbm.at[cid, pl.ds(rbase, RPT)])



def _mm_body(xt_ref, w_ref, o_ref):
    o_ref[...] = lax.dot_general(
        xt_ref[...], w_ref[...],
        dimension_numbers=(((0,), (0,)), ((), ())),
        preferred_element_type=jnp.float32,
    )


def _tc_matmul(xt, w1):
    return pl.pallas_call(
        _mm_body,
        grid=(5,),
        in_specs=[
            pl.BlockSpec((F, 2048), lambda i: (0, i)),
            pl.BlockSpec((F, D), lambda i: (0, 0)),
        ],
        out_specs=pl.BlockSpec((2048, D), lambda i: (i, 0)),
        out_shape=jax.ShapeDtypeStruct((MP, D), jnp.float32),
    )(xt, w1)


NPK = N * D // 128
MPK = MP * D // 128


def _prep_body(h1_ref, dp_ref, g1_ref, dis_ref):
    deg = dp_ref[0] + dp_ref[1] + 1.0
    dis = lax.rsqrt(deg)
    dis_ref[...] = dis
    g1_ref[0:NPK, :] = h1_ref[0:NPK, :] * dis[0:NPK, :]
    g1_ref[NPK:MPK, :] = jnp.zeros((MPK - NPK, 128), jnp.float32)


def _tc_prep(h1p, deg_part):
    return pl.pallas_call(
        _prep_body,
        out_shape=(
            jax.ShapeDtypeStruct((MPK, 128), jnp.float32),
            jax.ShapeDtypeStruct((MPK, 128), jnp.float32),
        ),
    )(h1p, deg_part.reshape(2, MPK, 128))


def _mid_body(a_ref, g1_ref, dis_ref, b1_ref, g2_ref):
    acc = a_ref[0] + a_ref[1] + g1_ref[...]
    t = acc * dis_ref[...] + b1_ref[...]
    r = jnp.maximum(t, 0.0)
    g2 = r * dis_ref[...]
    row = lax.broadcasted_iota(jnp.int32, (MPK, 128), 0)
    g2_ref[...] = jnp.where(row < NPK, g2, 0.0)


def _tc_mid(acc1p, g1p, disp, b1t):
    return pl.pallas_call(
        _mid_body,
        out_shape=jax.ShapeDtypeStruct((MPK, 128), jnp.float32),
    )(acc1p, g1p, disp, b1t)


def _fin_body(a_ref, g2_ref, dis_ref, w2_ref, b2_ref, s_ref, o_ref):
    acc = a_ref[0] + a_ref[1] + g2_ref[...]
    tp = acc * dis_ref[...]
    h = jnp.dot(tp, w2_ref[...], preferred_element_type=jnp.float32) + b2_ref[...]
    col = lax.broadcasted_iota(jnp.int32, (MPK, 128), 1)
    mask = (col % 16) < 3
    hm = jnp.where(mask, h, jnp.float32(-1e30))
    mx = jnp.max(hm, axis=1, keepdims=True)
    e = jnp.where(mask, jnp.exp(h - mx), 0.0)
    s = jnp.dot(e, s_ref[...], preferred_element_type=jnp.float32)
    o_ref[...] = h - mx - jnp.log(s)


def _tc_final(acc2p, g2p, disp, w2bd, b2t, ssum):
    return pl.pallas_call(
        _fin_body,
        out_shape=jax.ShapeDtypeStruct((MPK, 128), jnp.float32),
    )(acc2p, g2p, disp, w2bd, b2t, ssum)



@jax.jit
def kernel(x, edge, W1, b1, W2, b2):
    e32 = edge.astype(jnp.int32).reshape(2, NW, NCH, CH)
    zeros_d = jnp.zeros((MP, D), jnp.float32)
    ones_w = jnp.ones((CH, DW), jnp.float32)
    b1t = jnp.tile(b1, 8).reshape(1, 128)
    w2p = jnp.pad(W2, ((0, 0), (0, D - 3)))
    w2bd = jnp.kron(jnp.eye(8, dtype=jnp.float32), w2p)
    b2t = jnp.tile(jnp.pad(b2, (0, D - 3)), 8).reshape(1, 128)
    sblk = jnp.zeros((D, D), jnp.float32).at[:3, :3].set(1.0)
    ssum = jnp.kron(jnp.eye(8, dtype=jnp.float32), sblk)

    deg_part = _sc_deg(e32, zeros_d, ones_w)
    h1 = _tc_matmul(x.T, W1)
    g1p, disp = _tc_prep(h1.reshape(MPK, 128), deg_part)
    acc1 = _sc_agg(g1p.reshape(MP, D), e32, zeros_d)
    g2p = _tc_mid(acc1.reshape(2, MPK, 128), g1p, disp, b1t)
    acc2 = _sc_agg(g2p.reshape(MP, D), e32, zeros_d)
    outp = _tc_final(acc2.reshape(2, MPK, 128), g2p, disp, w2bd, b2t, ssum)
    return outp.reshape(MP, D)[:N, :3]

# --- scband reference (transcript-rebuilt; emitter-appended) ---
"""Pipeline reference for scband-gcn-41420664603250 (READ-ONLY COPY).

The authoritative reference and input builder live on the scoring server;
editing this copy changes nothing except your own understanding.
"""

import jax, jax.numpy as jnp
import numpy as np

N_NODES = 10000


def gcn_conv(x, edge_index, W, b):
    # GCNConv (Kipf & Welling): add self-loops, linear transform, symmetric norm, scatter-add
    n = x.shape[0]
    loop = jnp.arange(n, dtype=edge_index.dtype)
    src = jnp.concatenate([edge_index[0], loop])
    dst = jnp.concatenate([edge_index[1], loop])
    h = x @ W
    deg = jnp.zeros((n,), dtype=h.dtype).at[dst].add(1.0)
    deg_inv_sqrt = jnp.where(deg > 0, deg ** -0.5, 0.0)
    norm = deg_inv_sqrt[src] * deg_inv_sqrt[dst]
    msg = h[src] * norm[:, None]
    out = jnp.zeros((n, W.shape[1]), dtype=h.dtype).at[dst].add(msg)
    return out + b


def setup_inputs(seed: int = 0) -> dict:
    key = jax.random.key(seed)
    k1, k2, k3, k4, k5, k6 = jax.random.split(key, 6)
    x = jax.random.normal(k1, (N_NODES, 500), dtype=jnp.float32)
    edge = jax.random.randint(k2, (2, 160000), 0, N_NODES, dtype=jnp.int64)
    # GCNConv uses glorot-initialized weights and zero bias
    W1 = jax.random.normal(k3, (500, 16), dtype=jnp.float32) * (2.0 / (500 + 16)) ** 0.5
    b1 = jnp.zeros((16,), dtype=jnp.float32)
    W2 = jax.random.normal(k4, (16, 3), dtype=jnp.float32) * (2.0 / (16 + 3)) ** 0.5
    b2 = jnp.zeros((3,), dtype=jnp.float32)
    return {"x": x, "edge": edge, "W1": W1, "b1": b1, "W2": W2, "b2": b2}


def reference(x, edge, W1, b1, W2, b2):
    h = gcn_conv(x, edge, W1, b1)
    h = jax.nn.relu(h)
    # F.dropout(training=self.training): identity in eval mode
    h = gcn_conv(h, edge, W2, b2)
    return jax.nn.log_softmax(h, axis=1)

if __name__ == "__main__":
    import jax
    _d = setup_inputs()
    print(jax.jit(kernel)(*tuple(_d.values())))

</pallas_src>

<mosaic_0001>
#map = affine_map<(d0, d1) -> (0, 0)>
#map1 = affine_map<(d0, d1) -> (0, 0, 0, 0)>
#map2 = affine_map<(d0, d1) -> (0, 0, 0)>
module attributes {stable_mosaic.version = 14 : i64} {
  func.func @_sc_agg(%arg0: i32, %arg1: i32, %arg2: memref<10240x16xf32, #tpu.memory_space<hbm>>, %arg3: memref<2x32x40x125xi32, #tpu.memory_space<hbm>>, %arg4: memref<10240x16xf32, #tpu.memory_space<hbm>>, %arg5: memref<2x10240x16xf32, #tpu.memory_space<hbm>>, %arg6: memref<40x125xi32, #tpu.memory_space<vmem>>, %arg7: memref<40x125xi32, #tpu.memory_space<vmem>>, %arg8: memref<5000x16xf32, #tpu.memory_space<vmem>>, %arg9: memref<!tpu.dma_semaphore, #tpu.memory_space<semaphore_mem>>, %arg10: memref<!tpu.dma_semaphore, #tpu.memory_space<semaphore_mem>>, %arg11: memref<10240x16xf32, #tpu.memory_space<vmem_shared>>, %arg12: memref<10240x16xf32, #tpu.memory_space<vmem_shared>>) attributes {dimension_semantics = [#tpu.dimension_semantics<core_parallel>, #tpu.dimension_semantics<subcore_parallel>], iteration_bounds = array<i64: 2, 16>, scalar_prefetch = 0 : i64, scratch_operands = 7 : i64, tpu.core_type = #tpu.core_type<sc_vector_subcore>, window_params = [{transform_indices = #map}, {transform_indices = #map1}, {transform_indices = #map}, {transform_indices = #map2}]} {
    %mul3A = arith.constant 16 : i32
    %mul3A_0 = arith.muli %arg0, %mul3A : i32
    %add3A = arith.addi %mul3A_0, %arg1 : i32
    %mul3A_1 = arith.constant 640 : i32
    %mul3A_2 = arith.muli %arg1, %mul3A_1 : i32
    "tpu.region"() ({
      %run_scoped3A_28 = tpu.sem_alloc : memref<!tpu.dma_semaphore, #tpu.memory_space<semaphore_mem>>
      %dma_start3A = arith.constant 0 : i32
      %dma_start3A_29 = tpu.memref_slice %arg11[%mul3A_2, %dma_start3A] : memref<10240x16xf32, #tpu.memory_space<vmem_shared>> -> memref<640x16xf32, #tpu.memory_space<vmem_shared>>
      %dma_start3A_30 = arith.constant 0 : i32
      %dma_start3A_31 = tpu.memref_slice %arg4[%mul3A_2, %dma_start3A_30] : memref<10240x16xf32, #tpu.memory_space<hbm>> -> memref<640x16xf32, #tpu.memory_space<hbm>>
      tpu.enqueue_dma source(%dma_start3A_31 : memref<640x16xf32, #tpu.memory_space<hbm>>) target(%dma_start3A_29 : memref<640x16xf32, #tpu.memory_space<vmem_shared>>) target_semaphore(%run_scoped3A_28 : memref<!tpu.dma_semaphore, #tpu.memory_space<semaphore_mem>>)
      %dma_wait3A = arith.constant 0 : i32
      %dma_wait3A_32 = tpu.memref_slice %arg11[%mul3A_2, %dma_wait3A] : memref<10240x16xf32, #tpu.memory_space<vmem_shared>> -> memref<640x16xf32, #tpu.memory_space<vmem_shared>>
      %dma_wait3A_33 = arith.constant 0 : i32
      %dma_wait3A_34 = tpu.memref_slice %arg4[%mul3A_2, %dma_wait3A_33] : memref<10240x16xf32, #tpu.memory_space<hbm>> -> memref<640x16xf32, #tpu.memory_space<hbm>>
      tpu.wait_dma2 semaphore(%run_scoped3A_28 : memref<!tpu.dma_semaphore, #tpu.memory_space<semaphore_mem>>) src(%dma_wait3A_34 : memref<640x16xf32, #tpu.memory_space<hbm>>) dst(%dma_wait3A_32 : memref<640x16xf32, #tpu.memory_space<vmem_shared>>)
      tpu.yield
    }) : () -> ()
    "tpu.region"() ({
      %run_scoped3A_28 = tpu.sem_alloc : memref<!tpu.dma_semaphore, #tpu.memory_space<semaphore_mem>>
      %dma_start3A = arith.constant 0 : i32
      %dma_start3A_29 = tpu.memref_slice %arg12[%mul3A_2, %dma_start3A] : memref<10240x16xf32, #tpu.memory_space<vmem_shared>> -> memref<640x16xf32, #tpu.memory_space<vmem_shared>>
      %dma_start3A_30 = arith.constant 0 : i32
      %dma_start3A_31 = tpu.memref_slice %arg2[%mul3A_2, %dma_start3A_30] : memref<10240x16xf32, #tpu.memory_space<hbm>> -> memref<640x16xf32, #tpu.memory_space<hbm>>
      tpu.enqueue_dma source(%dma_start3A_31 : memref<640x16xf32, #tpu.memory_space<hbm>>) target(%dma_start3A_29 : memref<640x16xf32, #tpu.memory_space<vmem_shared>>) target_semaphore(%run_scoped3A_28 : memref<!tpu.dma_semaphore, #tpu.memory_space<semaphore_mem>>)
      %dma_wait3A = arith.constant 0 : i32
      %dma_wait3A_32 = tpu.memref_slice %arg12[%mul3A_2, %dma_wait3A] : memref<10240x16xf32, #tpu.memory_space<vmem_shared>> -> memref<640x16xf32, #tpu.memory_space<vmem_shared>>
      %dma_wait3A_33 = arith.constant 0 : i32
      %dma_wait3A_34 = tpu.memref_slice %arg2[%mul3A_2, %dma_wait3A_33] : memref<10240x16xf32, #tpu.memory_space<hbm>> -> memref<640x16xf32, #tpu.memory_space<hbm>>
      tpu.wait_dma2 semaphore(%run_scoped3A_28 : memref<!tpu.dma_semaphore, #tpu.memory_space<semaphore_mem>>) src(%dma_wait3A_34 : memref<640x16xf32, #tpu.memory_space<hbm>>) dst(%dma_wait3A_32 : memref<640x16xf32, #tpu.memory_space<vmem_shared>>)
      tpu.yield
    }) : () -> ()
    %run_scoped3A = arith.constant 0 : i32
    "tpu.region"() ({
      %run_scoped3A_28 = tpu.sem_alloc : memref<!tpu.dma_semaphore, #tpu.memory_space<semaphore_mem>>
      %dma_start3A = arith.constant 0 : i32
      %dma_start3A_29 = arith.constant 0 : i32
      %dma_start3A_30 = tpu.memref_slice %arg3[%run_scoped3A, %add3A, %dma_start3A, %dma_start3A_29] : memref<2x32x40x125xi32, #tpu.memory_space<hbm>> -> memref<1x1x40x125xi32, #tpu.memory_space<hbm>>
      %dma_start3A_31 = tpu.memref_squeeze %dma_start3A_30 : memref<1x1x40x125xi32, #tpu.memory_space<hbm>> -> memref<40x125xi32, #tpu.memory_space<hbm>>
      %dma_start3A_32 = arith.constant 0 : i32
      %dma_start3A_33 = arith.constant 0 : i32
      %dma_start3A_34 = tpu.memref_slice %arg3[%run_scoped3A, %add3A, %dma_start3A_32, %dma_start3A_33] : memref<2x32x40x125xi32, #tpu.memory_space<hbm>> -> memref<1x1x40x125xi32, #tpu.memory_space<hbm>>
      %dma_start3A_35 = tpu.memref_squeeze %dma_start3A_34 : memref<1x1x40x125xi32, #tpu.memory_space<hbm>> -> memref<40x125xi32, #tpu.memory_space<hbm>>
      tpu.enqueue_dma source(%dma_start3A_35 : memref<40x125xi32, #tpu.memory_space<hbm>>) target(%arg6 : memref<40x125xi32, #tpu.memory_space<vmem>>) target_semaphore(%run_scoped3A_28 : memref<!tpu.dma_semaphore, #tpu.memory_space<semaphore_mem>>)
      %dma_wait3A = arith.constant 0 : i32
      %dma_wait3A_36 = arith.constant 0 : i32
      %dma_wait3A_37 = tpu.memref_slice %arg3[%run_scoped3A, %add3A, %dma_wait3A, %dma_wait3A_36] : memref<2x32x40x125xi32, #tpu.memory_space<hbm>> -> memref<1x1x40x125xi32, #tpu.memory_space<hbm>>
      %dma_wait3A_38 = tpu.memref_squeeze %dma_wait3A_37 : memref<1x1x40x125xi32, #tpu.memory_space<hbm>> -> memref<40x125xi32, #tpu.memory_space<hbm>>
      %dma_wait3A_39 = arith.constant 0 : i32
      %dma_wait3A_40 = arith.constant 0 : i32
      %dma_wait3A_41 = tpu.memref_slice %arg3[%run_scoped3A, %add3A, %dma_wait3A_39, %dma_wait3A_40] : memref<2x32x40x125xi32, #tpu.memory_space<hbm>> -> memref<1x1x40x125xi32, #tpu.memory_space<hbm>>
      %dma_wait3A_42 = tpu.memref_squeeze %dma_wait3A_41 : memref<1x1x40x125xi32, #tpu.memory_space<hbm>> -> memref<40x125xi32, #tpu.memory_space<hbm>>
      tpu.wait_dma2 semaphore(%run_scoped3A_28 : memref<!tpu.dma_semaphore, #tpu.memory_space<semaphore_mem>>) src(%dma_wait3A_42 : memref<40x125xi32, #tpu.memory_space<hbm>>) dst(%arg6 : memref<40x125xi32, #tpu.memory_space<vmem>>)
      tpu.yield
    }) : () -> ()
    %run_scoped3A_3 = arith.constant 1 : i32
    "tpu.region"() ({
      %run_scoped3A_28 = tpu.sem_alloc : memref<!tpu.dma_semaphore, #tpu.memory_space<semaphore_mem>>
      %dma_start3A = arith.constant 0 : i32
      %dma_start3A_29 = arith.constant 0 : i32
      %dma_start3A_30 = tpu.memref_slice %arg3[%run_scoped3A_3, %add3A, %dma_start3A, %dma_start3A_29] : memref<2x32x40x125xi32, #tpu.memory_space<hbm>> -> memref<1x1x40x125xi32, #tpu.memory_space<hbm>>
      %dma_start3A_31 = tpu.memref_squeeze %dma_start3A_30 : memref<1x1x40x125xi32, #tpu.memory_space<hbm>> -> memref<40x125xi32, #tpu.memory_space<hbm>>
      %dma_start3A_32 = arith.constant 0 : i32
      %dma_start3A_33 = arith.constant 0 : i32
      %dma_start3A_34 = tpu.memref_slice %arg3[%run_scoped3A_3, %add3A, %dma_start3A_32, %dma_start3A_33] : memref<2x32x40x125xi32, #tpu.memory_space<hbm>> -> memref<1x1x40x125xi32, #tpu.memory_space<hbm>>
      %dma_start3A_35 = tpu.memref_squeeze %dma_start3A_34 : memref<1x1x40x125xi32, #tpu.memory_space<hbm>> -> memref<40x125xi32, #tpu.memory_space<hbm>>
      tpu.enqueue_dma source(%dma_start3A_35 : memref<40x125xi32, #tpu.memory_space<hbm>>) target(%arg7 : memref<40x125xi32, #tpu.memory_space<vmem>>) target_semaphore(%run_scoped3A_28 : memref<!tpu.dma_semaphore, #tpu.memory_space<semaphore_mem>>)
      %dma_wait3A = arith.constant 0 : i32
      %dma_wait3A_36 = arith.constant 0 : i32
      %dma_wait3A_37 = tpu.memref_slice %arg3[%run_scoped3A_3, %add3A, %dma_wait3A, %dma_wait3A_36] : memref<2x32x40x125xi32, #tpu.memory_space<hbm>> -> memref<1x1x40x125xi32, #tpu.memory_space<hbm>>
      %dma_wait3A_38 = tpu.memref_squeeze %dma_wait3A_37 : memref<1x1x40x125xi32, #tpu.memory_space<hbm>> -> memref<40x125xi32, #tpu.memory_space<hbm>>
      %dma_wait3A_39 = arith.constant 0 : i32
      %dma_wait3A_40 = arith.constant 0 : i32
      %dma_wait3A_41 = tpu.memref_slice %arg3[%run_scoped3A_3, %add3A, %dma_wait3A_39, %dma_wait3A_40] : memref<2x32x40x125xi32, #tpu.memory_space<hbm>> -> memref<1x1x40x125xi32, #tpu.memory_space<hbm>>
      %dma_wait3A_42 = tpu.memref_squeeze %dma_wait3A_41 : memref<1x1x40x125xi32, #tpu.memory_space<hbm>> -> memref<40x125xi32, #tpu.memory_space<hbm>>
      tpu.wait_dma2 semaphore(%run_scoped3A_28 : memref<!tpu.dma_semaphore, #tpu.memory_space<semaphore_mem>>) src(%dma_wait3A_42 : memref<40x125xi32, #tpu.memory_space<hbm>>) dst(%arg7 : memref<40x125xi32, #tpu.memory_space<vmem>>)
      tpu.yield
    }) : () -> ()
    %barrier3A = arith.constant 0 : index
    tpu.barrier barrier_id(%barrier3A)
    %scan3A = arith.constant 0 : i32
    %scan3A_4 = arith.constant 0 : i32
    %scan3A_5 = arith.constant 40 : i32
    %scan3A_6 = arith.addi %scan3A_4, %scan3A_5 : i32
    %scan3A_7 = arith.constant 1 : i32
    scf.for %scan3A_28 = %scan3A_4 to %scan3A_6 step %scan3A_7  : i32 {
      %mul3A_29 = arith.constant 125 : i32
      %mul3A_30 = arith.muli %scan3A_28, %mul3A_29 : i32
      %dma_start3A = arith.constant 0 : i32
      %dma_start3A_31 = tpu.memref_slice %arg8[%mul3A_30, %dma_start3A] : memref<5000x16xf32, #tpu.memory_space<vmem>> -> memref<125x16xf32, #tpu.memory_space<vmem>>
      %dma_start3A_32 = arith.constant 0 : i32
      %dma_start3A_33 = tpu.memref_slice %arg6[%scan3A_28, %dma_start3A_32] : memref<40x125xi32, #tpu.memory_space<vmem>> -> memref<1x125xi32, #tpu.memory_space<vmem>>
      %dma_start3A_34 = tpu.memref_squeeze %dma_start3A_33 : memref<1x125xi32, #tpu.memory_space<vmem>> -> memref<125xi32, #tpu.memory_space<vmem>>
      %dma_start3A_35 = arith.constant 0 : i32
      %dma_start3A_36 = arith.constant 0 : i32
      %dma_start3A_37 = tpu.memref_slice %arg12[%dma_start3A_35, %dma_start3A_36] : memref<10240x16xf32, #tpu.memory_space<vmem_shared>> -> memref<10240x16xf32, #tpu.memory_space<vmem_shared>>
      tpu.enqueue_indirect_dma source(%dma_start3A_37 : memref<10240x16xf32, #tpu.memory_space<vmem_shared>>) target(%dma_start3A_31 : memref<125x16xf32, #tpu.memory_space<vmem>>) offsets(%dma_start3A_34 : memref<125xi32, #tpu.memory_space<vmem>>) semaphore(%arg9 : memref<!tpu.dma_semaphore, #tpu.memory_space<semaphore_mem>>)
    }
    %scan3A_8 = arith.constant 40 : i32
    %scan3A_9 = arith.constant 0 : i32
    %scan3A_10 = arith.constant 0 : i32
    %scan3A_11 = arith.constant 40 : i32
    %scan3A_12 = arith.addi %scan3A_10, %scan3A_11 : i32
    %scan3A_13 = arith.constant 1 : i32
    scf.for %scan3A_28 = %scan3A_10 to %scan3A_12 step %scan3A_13  : i32 {
      %dma_wait3A = arith.constant 0 : i32
      %dma_wait3A_29 = arith.constant 0 : i32
      %dma_wait3A_30 = arith.constant 0 : i32
      %dma_wait3A_31 = tpu.memref_slice %arg8[%dma_wait3A_29, %dma_wait3A_30] : memref<5000x16xf32, #tpu.memory_space<vmem>> -> memref<125x16xf32, #tpu.memory_space<vmem>>
      %dma_wait3A_32 = arith.constant 0 : i32
      %dma_wait3A_33 = tpu.memref_slice %arg6[%dma_wait3A, %dma_wait3A_32] : memref<40x125xi32, #tpu.memory_space<vmem>> -> memref<1x125xi32, #tpu.memory_space<vmem>>
      %dma_wait3A_34 = tpu.memref_squeeze %dma_wait3A_33 : memref<1x125xi32, #tpu.memory_space<vmem>> -> memref<125xi32, #tpu.memory_space<vmem>>
      %dma_wait3A_35 = arith.constant 0 : i32
      %dma_wait3A_36 = arith.constant 0 : i32
      %dma_wait3A_37 = tpu.memref_slice %arg12[%dma_wait3A_35, %dma_wait3A_36] : memref<10240x16xf32, #tpu.memory_space<vmem_shared>> -> memref<10240x16xf32, #tpu.memory_space<vmem_shared>>
      tpu.wait_indirect_dma semaphore(%arg9 : memref<!tpu.dma_semaphore, #tpu.memory_space<semaphore_mem>>) src(%dma_wait3A_37 : memref<10240x16xf32, #tpu.memory_space<vmem_shared>>) dst(%dma_wait3A_31 : memref<125x16xf32, #tpu.memory_space<vmem>>)
    }
    %scan3A_14 = arith.constant 40 : i32
    %scan3A_15 = arith.constant 0 : i32
    %scan3A_16 = arith.constant 0 : i32
    %scan3A_17 = arith.constant 40 : i32
    %scan3A_18 = arith.addi %scan3A_16, %scan3A_17 : i32
    %scan3A_19 = arith.constant 1 : i32
    scf.for %scan3A_28 = %scan3A_16 to %scan3A_18 step %scan3A_19  : i32 {
      %mul3A_29 = arith.constant 125 : i32
      %mul3A_30 = arith.muli %scan3A_28, %mul3A_29 : i32
      %dma_start3A = arith.constant 0 : i32
      %dma_start3A_31 = tpu.memref_slice %arg8[%mul3A_30, %dma_start3A] : memref<5000x16xf32, #tpu.memory_space<vmem>> -> memref<125x16xf32, #tpu.memory_space<vmem>>
      %dma_start3A_32 = arith.constant 0 : i32
      %dma_start3A_33 = tpu.memref_slice %arg7[%scan3A_28, %dma_start3A_32] : memref<40x125xi32, #tpu.memory_space<vmem>> -> memref<1x125xi32, #tpu.memory_space<vmem>>
      %dma_start3A_34 = tpu.memref_squeeze %dma_start3A_33 : memref<1x125xi32, #tpu.memory_space<vmem>> -> memref<125xi32, #tpu.memory_space<vmem>>
      %dma_start3A_35 = arith.constant 0 : i32
      %dma_start3A_36 = arith.constant 0 : i32
      %dma_start3A_37 = tpu.memref_slice %arg11[%dma_start3A_35, %dma_start3A_36] : memref<10240x16xf32, #tpu.memory_space<vmem_shared>> -> memref<10240x16xf32, #tpu.memory_space<vmem_shared>>
      tpu.enqueue_indirect_dma source(%dma_start3A_31 : memref<125x16xf32, #tpu.memory_space<vmem>>) target(%dma_start3A_37 : memref<10240x16xf32, #tpu.memory_space<vmem_shared>>) offsets(%dma_start3A_34 : memref<125xi32, #tpu.memory_space<vmem>>) semaphore(%arg10 : memref<!tpu.dma_semaphore, #tpu.memory_space<semaphore_mem>>) {add = true}
    }
    %scan3A_20 = arith.constant 40 : i32
    %scan3A_21 = arith.constant 0 : i32
    %scan3A_22 = arith.constant 0 : i32
    %scan3A_23 = arith.constant 40 : i32
    %scan3A_24 = arith.addi %scan3A_22, %scan3A_23 : i32
    %scan3A_25 = arith.constant 1 : i32
    scf.for %scan3A_28 = %scan3A_22 to %scan3A_24 step %scan3A_25  : i32 {
      %dma_wait3A = arith.constant 0 : i32
      %dma_wait3A_29 = arith.constant 0 : i32
      %dma_wait3A_30 = arith.constant 0 : i32
      %dma_wait3A_31 = tpu.memref_slice %arg8[%dma_wait3A_29, %dma_wait3A_30] : memref<5000x16xf32, #tpu.memory_space<vmem>> -> memref<125x16xf32, #tpu.memory_space<vmem>>
      %dma_wait3A_32 = arith.constant 0 : i32
      %dma_wait3A_33 = tpu.memref_slice %arg7[%dma_wait3A, %dma_wait3A_32] : memref<40x125xi32, #tpu.memory_space<vmem>> -> memref<1x125xi32, #tpu.memory_space<vmem>>
      %dma_wait3A_34 = tpu.memref_squeeze %dma_wait3A_33 : memref<1x125xi32, #tpu.memory_space<vmem>> -> memref<125xi32, #tpu.memory_space<vmem>>
      %dma_wait3A_35 = arith.constant 0 : i32
      %dma_wait3A_36 = arith.constant 0 : i32
      %dma_wait3A_37 = tpu.memref_slice %arg11[%dma_wait3A_35, %dma_wait3A_36] : memref<10240x16xf32, #tpu.memory_space<vmem_shared>> -> memref<10240x16xf32, #tpu.memory_space<vmem_shared>>
      tpu.wait_indirect_dma semaphore(%arg10 : memref<!tpu.dma_semaphore, #tpu.memory_space<semaphore_mem>>) src(%dma_wait3A_31 : memref<125x16xf32, #tpu.memory_space<vmem>>) dst(%dma_wait3A_37 : memref<10240x16xf32, #tpu.memory_space<vmem_shared>>)
    }
    %scan3A_26 = arith.constant 40 : i32
    %barrier3A_27 = arith.constant 0 : index
    tpu.barrier barrier_id(%barrier3A_27)
    "tpu.region"() ({
      %run_scoped3A_28 = tpu.sem_alloc : memref<!tpu.dma_semaphore, #tpu.memory_space<semaphore_mem>>
      %dma_start3A = arith.constant 0 : i32
      %dma_start3A_29 = tpu.memref_slice %arg5[%arg0, %mul3A_2, %dma_start3A] : memref<2x10240x16xf32, #tpu.memory_space<hbm>> -> memref<1x640x16xf32, #tpu.memory_space<hbm>>
      %dma_start3A_30 = tpu.memref_squeeze %dma_start3A_29 : memref<1x640x16xf32, #tpu.memory_space<hbm>> -> memref<640x16xf32, #tpu.memory_space<hbm>>
      %dma_start3A_31 = arith.constant 0 : i32
      %dma_start3A_32 = tpu.memref_slice %arg11[%mul3A_2, %dma_start3A_31] : memref<10240x16xf32, #tpu.memory_space<vmem_shared>> -> memref<640x16xf32, #tpu.memory_space<vmem_shared>>
      tpu.enqueue_dma source(%dma_start3A_32 : memref<640x16xf32, #tpu.memory_space<vmem_shared>>) target(%dma_start3A_30 : memref<640x16xf32, #tpu.memory_space<hbm>>) target_semaphore(%run_scoped3A_28 : memref<!tpu.dma_semaphore, #tpu.memory_space<semaphore_mem>>)
      %dma_wait3A = arith.constant 0 : i32
      %dma_wait3A_33 = tpu.memref_slice %arg5[%arg0, %mul3A_2, %dma_wait3A] : memref<2x10240x16xf32, #tpu.memory_space<hbm>> -> memref<1x640x16xf32, #tpu.memory_space<hbm>>
      %dma_wait3A_34 = tpu.memref_squeeze %dma_wait3A_33 : memref<1x640x16xf32, #tpu.memory_space<hbm>> -> memref<640x16xf32, #tpu.memory_space<hbm>>
      %dma_wait3A_35 = arith.constant 0 : i32
      %dma_wait3A_36 = tpu.memref_slice %arg11[%mul3A_2, %dma_wait3A_35] : memref<10240x16xf32, #tpu.memory_space<vmem_shared>> -> memref<640x16xf32, #tpu.memory_space<vmem_shared>>
      tpu.wait_dma2 semaphore(%run_scoped3A_28 : memref<!tpu.dma_semaphore, #tpu.memory_space<semaphore_mem>>) src(%dma_wait3A_36 : memref<640x16xf32, #tpu.memory_space<vmem_shared>>) dst(%dma_wait3A_34 : memref<640x16xf32, #tpu.memory_space<hbm>>)
      tpu.yield
    }) : () -> ()
    return
  }
}

#map = affine_map<(d0, d1) -> (0, 0, 0, 0)>
#map1 = affine_map<(d0, d1) -> (0, 0)>
#map2 = affine_map<(d0, d1) -> (0, 0, 0)>
module attributes {stable_mosaic.version = 14 : i64} {
  func.func @_sc_deg(%arg0: i32, %arg1: i32, %arg2: memref<2x32x40x125xi32, #tpu.memory_space<hbm>>, %arg3: memref<10240x16xf32, #tpu.memory_space<hbm>>, %arg4: memref<125x16xf32, #tpu.memory_space<hbm>>, %arg5: memref<2x10240x16xf32, #tpu.memory_space<hbm>>, %arg6: memref<40x125xi32, #tpu.memory_space<vmem>>, %arg7: memref<125x16xf32, #tpu.memory_space<vmem>>, %arg8: memref<!tpu.dma_semaphore, #tpu.memory_space<semaphore_mem>>, %arg9: memref<10240x16xf32, #tpu.memory_space<vmem_shared>>) attributes {dimension_semantics = [#tpu.dimension_semantics<core_parallel>, #tpu.dimension_semantics<subcore_parallel>], iteration_bounds = array<i64: 2, 16>, scalar_prefetch = 0 : i64, scratch_operands = 4 : i64, tpu.core_type = #tpu.core_type<sc_vector_subcore>, window_params = [{transform_indices = #map}, {transform_indices = #map1}, {transform_indices = #map1}, {transform_indices = #map2}]} {
    %mul3A = arith.constant 16 : i32
    %mul3A_0 = arith.muli %arg0, %mul3A : i32
    %add3A = arith.addi %mul3A_0, %arg1 : i32
    %mul3A_1 = arith.constant 640 : i32
    %mul3A_2 = arith.muli %arg1, %mul3A_1 : i32
    "tpu.region"() ({
      %run_scoped3A_15 = tpu.sem_alloc : memref<!tpu.dma_semaphore, #tpu.memory_space<semaphore_mem>>
      %dma_start3A = arith.constant 0 : i32
      %dma_start3A_16 = tpu.memref_slice %arg9[%mul3A_2, %dma_start3A] : memref<10240x16xf32, #tpu.memory_space<vmem_shared>> -> memref<640x16xf32, #tpu.memory_space<vmem_shared>>
      %dma_start3A_17 = arith.constant 0 : i32
      %dma_start3A_18 = tpu.memref_slice %arg3[%mul3A_2, %dma_start3A_17] : memref<10240x16xf32, #tpu.memory_space<hbm>> -> memref<640x16xf32, #tpu.memory_space<hbm>>
      tpu.enqueue_dma source(%dma_start3A_18 : memref<640x16xf32, #tpu.memory_space<hbm>>) target(%dma_start3A_16 : memref<640x16xf32, #tpu.memory_space<vmem_shared>>) target_semaphore(%run_scoped3A_15 : memref<!tpu.dma_semaphore, #tpu.memory_space<semaphore_mem>>)
      %dma_wait3A = arith.constant 0 : i32
      %dma_wait3A_19 = tpu.memref_slice %arg9[%mul3A_2, %dma_wait3A] : memref<10240x16xf32, #tpu.memory_space<vmem_shared>> -> memref<640x16xf32, #tpu.memory_space<vmem_shared>>
      %dma_wait3A_20 = arith.constant 0 : i32
      %dma_wait3A_21 = tpu.memref_slice %arg3[%mul3A_2, %dma_wait3A_20] : memref<10240x16xf32, #tpu.memory_space<hbm>> -> memref<640x16xf32, #tpu.memory_space<hbm>>
      tpu.wait_dma2 semaphore(%run_scoped3A_15 : memref<!tpu.dma_semaphore, #tpu.memory_space<semaphore_mem>>) src(%dma_wait3A_21 : memref<640x16xf32, #tpu.memory_space<hbm>>) dst(%dma_wait3A_19 : memref<640x16xf32, #tpu.memory_space<vmem_shared>>)
      tpu.yield
    }) : () -> ()
    "tpu.region"() ({
      %run_scoped3A_15 = tpu.sem_alloc : memref<!tpu.dma_semaphore, #tpu.memory_space<semaphore_mem>>
      tpu.enqueue_dma source(%arg4 : memref<125x16xf32, #tpu.memory_space<hbm>>) target(%arg7 : memref<125x16xf32, #tpu.memory_space<vmem>>) target_semaphore(%run_scoped3A_15 : memref<!tpu.dma_semaphore, #tpu.memory_space<semaphore_mem>>)
      tpu.wait_dma2 semaphore(%run_scoped3A_15 : memref<!tpu.dma_semaphore, #tpu.memory_space<semaphore_mem>>) src(%arg4 : memref<125x16xf32, #tpu.memory_space<hbm>>) dst(%arg7 : memref<125x16xf32, #tpu.memory_space<vmem>>)
      tpu.yield
    }) : () -> ()
    %run_scoped3A = arith.constant 1 : i32
    "tpu.region"() ({
      %run_scoped3A_15 = tpu.sem_alloc : memref<!tpu.dma_semaphore, #tpu.memory_space<semaphore_mem>>
      %dma_start3A = arith.constant 0 : i32
      %dma_start3A_16 = arith.constant 0 : i32
      %dma_start3A_17 = tpu.memref_slice %arg2[%run_scoped3A, %add3A, %dma_start3A, %dma_start3A_16] : memref<2x32x40x125xi32, #tpu.memory_space<hbm>> -> memref<1x1x40x125xi32, #tpu.memory_space<hbm>>
      %dma_start3A_18 = tpu.memref_squeeze %dma_start3A_17 : memref<1x1x40x125xi32, #tpu.memory_space<hbm>> -> memref<40x125xi32, #tpu.memory_space<hbm>>
      %dma_start3A_19 = arith.constant 0 : i32
      %dma_start3A_20 = arith.constant 0 : i32
      %dma_start3A_21 = tpu.memref_slice %arg2[%run_scoped3A, %add3A, %dma_start3A_19, %dma_start3A_20] : memref<2x32x40x125xi32, #tpu.memory_space<hbm>> -> memref<1x1x40x125xi32, #tpu.memory_space<hbm>>
      %dma_start3A_22 = tpu.memref_squeeze %dma_start3A_21 : memref<1x1x40x125xi32, #tpu.memory_space<hbm>> -> memref<40x125xi32, #tpu.memory_space<hbm>>
      tpu.enqueue_dma source(%dma_start3A_22 : memref<40x125xi32, #tpu.memory_space<hbm>>) target(%arg6 : memref<40x125xi32, #tpu.memory_space<vmem>>) target_semaphore(%run_scoped3A_15 : memref<!tpu.dma_semaphore, #tpu.memory_space<semaphore_mem>>)
      %dma_wait3A = arith.constant 0 : i32
      %dma_wait3A_23 = arith.constant 0 : i32
      %dma_wait3A_24 = tpu.memref_slice %arg2[%run_scoped3A, %add3A, %dma_wait3A, %dma_wait3A_23] : memref<2x32x40x125xi32, #tpu.memory_space<hbm>> -> memref<1x1x40x125xi32, #tpu.memory_space<hbm>>
      %dma_wait3A_25 = tpu.memref_squeeze %dma_wait3A_24 : memref<1x1x40x125xi32, #tpu.memory_space<hbm>> -> memref<40x125xi32, #tpu.memory_space<hbm>>
      %dma_wait3A_26 = arith.constant 0 : i32
      %dma_wait3A_27 = arith.constant 0 : i32
      %dma_wait3A_28 = tpu.memref_slice %arg2[%run_scoped3A, %add3A, %dma_wait3A_26, %dma_wait3A_27] : memref<2x32x40x125xi32, #tpu.memory_space<hbm>> -> memref<1x1x40x125xi32, #tpu.memory_space<hbm>>
      %dma_wait3A_29 = tpu.memref_squeeze %dma_wait3A_28 : memref<1x1x40x125xi32, #tpu.memory_space<hbm>> -> memref<40x125xi32, #tpu.memory_space<hbm>>
      tpu.wait_dma2 semaphore(%run_scoped3A_15 : memref<!tpu.dma_semaphore, #tpu.memory_space<semaphore_mem>>) src(%dma_wait3A_29 : memref<40x125xi32, #tpu.memory_space<hbm>>) dst(%arg6 : memref<40x125xi32, #tpu.memory_space<vmem>>)
      tpu.yield
    }) : () -> ()
    %barrier3A = arith.constant 0 : index
    tpu.barrier barrier_id(%barrier3A)
    %scan3A = arith.constant 0 : i32
    %scan3A_3 = arith.constant 0 : i32
    %scan3A_4 = arith.constant 40 : i32
    %scan3A_5 = arith.addi %scan3A_3, %scan3A_4 : i32
    %scan3A_6 = arith.constant 1 : i32
    scf.for %scan3A_15 = %scan3A_3 to %scan3A_5 step %scan3A_6  : i32 {
      %dma_start3A = arith.constant 0 : i32
      %dma_start3A_16 = tpu.memref_slice %arg6[%scan3A_15, %dma_start3A] : memref<40x125xi32, #tpu.memory_space<vmem>> -> memref<1x125xi32, #tpu.memory_space<vmem>>
      %dma_start3A_17 = tpu.memref_squeeze %dma_start3A_16 : memref<1x125xi32, #tpu.memory_space<vmem>> -> memref<125xi32, #tpu.memory_space<vmem>>
      %dma_start3A_18 = arith.constant 0 : i32
      %dma_start3A_19 = arith.constant 0 : i32
      %dma_start3A_20 = tpu.memref_slice %arg9[%dma_start3A_18, %dma_start3A_19] : memref<10240x16xf32, #tpu.memory_space<vmem_shared>> -> memref<10240x16xf32, #tpu.memory_space<vmem_shared>>
      tpu.enqueue_indirect_dma source(%arg7 : memref<125x16xf32, #tpu.memory_space<vmem>>) target(%dma_start3A_20 : memref<10240x16xf32, #tpu.memory_space<vmem_shared>>) offsets(%dma_start3A_17 : memref<125xi32, #tpu.memory_space<vmem>>) semaphore(%arg8 : memref<!tpu.dma_semaphore, #tpu.memory_space<semaphore_mem>>) {add = true}
    }
    %scan3A_7 = arith.constant 40 : i32
    %scan3A_8 = arith.constant 0 : i32
    %scan3A_9 = arith.constant 0 : i32
    %scan3A_10 = arith.constant 40 : i32
    %scan3A_11 = arith.addi %scan3A_9, %scan3A_10 : i32
    %scan3A_12 = arith.constant 1 : i32
    scf.for %scan3A_15 = %scan3A_9 to %scan3A_11 step %scan3A_12  : i32 {
      %dma_wait3A = arith.constant 0 : i32
      %dma_wait3A_16 = arith.constant 0 : i32
      %dma_wait3A_17 = tpu.memref_slice %arg6[%dma_wait3A, %dma_wait3A_16] : memref<40x125xi32, #tpu.memory_space<vmem>> -> memref<1x125xi32, #tpu.memory_space<vmem>>
      %dma_wait3A_18 = tpu.memref_squeeze %dma_wait3A_17 : memref<1x125xi32, #tpu.memory_space<vmem>> -> memref<125xi32, #tpu.memory_space<vmem>>
      %dma_wait3A_19 = arith.constant 0 : i32
      %dma_wait3A_20 = arith.constant 0 : i32
      %dma_wait3A_21 = tpu.memref_slice %arg9[%dma_wait3A_19, %dma_wait3A_20] : memref<10240x16xf32, #tpu.memory_space<vmem_shared>> -> memref<10240x16xf32, #tpu.memory_space<vmem_shared>>
      tpu.wait_indirect_dma semaphore(%arg8 : memref<!tpu.dma_semaphore, #tpu.memory_space<semaphore_mem>>) src(%arg7 : memref<125x16xf32, #tpu.memory_space<vmem>>) dst(%dma_wait3A_21 : memref<10240x16xf32, #tpu.memory_space<vmem_shared>>)
    }
    %scan3A_13 = arith.constant 40 : i32
    %barrier3A_14 = arith.constant 0 : index
    tpu.barrier barrier_id(%barrier3A_14)
    "tpu.region"() ({
      %run_scoped3A_15 = tpu.sem_alloc : memref<!tpu.dma_semaphore, #tpu.memory_space<semaphore_mem>>
      %dma_start3A = arith.constant 0 : i32
      %dma_start3A_16 = tpu.memref_slice %arg5[%arg0, %mul3A_2, %dma_start3A] : memref<2x10240x16xf32, #tpu.memory_space<hbm>> -> memref<1x640x16xf32, #tpu.memory_space<hbm>>
      %dma_start3A_17 = tpu.memref_squeeze %dma_start3A_16 : memref<1x640x16xf32, #tpu.memory_space<hbm>> -> memref<640x16xf32, #tpu.memory_space<hbm>>
      %dma_start3A_18 = arith.constant 0 : i32
      %dma_start3A_19 = tpu.memref_slice %arg9[%mul3A_2, %dma_start3A_18] : memref<10240x16xf32, #tpu.memory_space<vmem_shared>> -> memref<640x16xf32, #tpu.memory_space<vmem_shared>>
      tpu.enqueue_dma source(%dma_start3A_19 : memref<640x16xf32, #tpu.memory_space<vmem_shared>>) target(%dma_start3A_17 : memref<640x16xf32, #tpu.memory_space<hbm>>) target_semaphore(%run_scoped3A_15 : memref<!tpu.dma_semaphore, #tpu.memory_space<semaphore_mem>>)
      %dma_wait3A = arith.constant 0 : i32
      %dma_wait3A_20 = tpu.memref_slice %arg5[%arg0, %mul3A_2, %dma_wait3A] : memref<2x10240x16xf32, #tpu.memory_space<hbm>> -> memref<1x640x16xf32, #tpu.memory_space<hbm>>
      %dma_wait3A_21 = tpu.memref_squeeze %dma_wait3A_20 : memref<1x640x16xf32, #tpu.memory_space<hbm>> -> memref<640x16xf32, #tpu.memory_space<hbm>>
      %dma_wait3A_22 = arith.constant 0 : i32
      %dma_wait3A_23 = tpu.memref_slice %arg9[%mul3A_2, %dma_wait3A_22] : memref<10240x16xf32, #tpu.memory_space<vmem_shared>> -> memref<640x16xf32, #tpu.memory_space<vmem_shared>>
      tpu.wait_dma2 semaphore(%run_scoped3A_15 : memref<!tpu.dma_semaphore, #tpu.memory_space<semaphore_mem>>) src(%dma_wait3A_23 : memref<640x16xf32, #tpu.memory_space<vmem_shared>>) dst(%dma_wait3A_21 : memref<640x16xf32, #tpu.memory_space<hbm>>)
      tpu.yield
    }) : () -> ()
    return
  }
}

#map = affine_map<(d0, d1) -> (0, 0)>
#map1 = affine_map<(d0, d1) -> (0, 0, 0, 0)>
#map2 = affine_map<(d0, d1) -> (0, 0, 0)>
module attributes {stable_mosaic.version = 14 : i64} {
  func.func @_sc_agg(%arg0: i32, %arg1: i32, %arg2: memref<10240x16xf32, #tpu.memory_space<hbm>>, %arg3: memref<2x32x40x125xi32, #tpu.memory_space<hbm>>, %arg4: memref<10240x16xf32, #tpu.memory_space<hbm>>, %arg5: memref<2x10240x16xf32, #tpu.memory_space<hbm>>, %arg6: memref<40x125xi32, #tpu.memory_space<vmem>>, %arg7: memref<40x125xi32, #tpu.memory_space<vmem>>, %arg8: memref<5000x16xf32, #tpu.memory_space<vmem>>, %arg9: memref<!tpu.dma_semaphore, #tpu.memory_space<semaphore_mem>>, %arg10: memref<!tpu.dma_semaphore, #tpu.memory_space<semaphore_mem>>, %arg11: memref<10240x16xf32, #tpu.memory_space<vmem_shared>>, %arg12: memref<10240x16xf32, #tpu.memory_space<vmem_shared>>) attributes {dimension_semantics = [#tpu.dimension_semantics<core_parallel>, #tpu.dimension_semantics<subcore_parallel>], iteration_bounds = array<i64: 2, 16>, scalar_prefetch = 0 : i64, scratch_operands = 7 : i64, tpu.core_type = #tpu.core_type<sc_vector_subcore>, window_params = [{transform_indices = #map}, {transform_indices = #map1}, {transform_indices = #map}, {transform_indices = #map2}]} {
    %mul3A = arith.constant 16 : i32
    %mul3A_0 = arith.muli %arg0, %mul3A : i32
    %add3A = arith.addi %mul3A_0, %arg1 : i32
    %mul3A_1 = arith.constant 640 : i32
    %mul3A_2 = arith.muli %arg1, %mul3A_1 : i32
    "tpu.region"() ({
      %run_scoped3A_28 = tpu.sem_alloc : memref<!tpu.dma_semaphore, #tpu.memory_space<semaphore_mem>>
      %dma_start3A = arith.constant 0 : i32
      %dma_start3A_29 = tpu.memref_slice %arg11[%mul3A_2, %dma_start3A] : memref<10240x16xf32, #tpu.memory_space<vmem_shared>> -> memref<640x16xf32, #tpu.memory_space<vmem_shared>>
      %dma_start3A_30 = arith.constant 0 : i32
      %dma_start3A_31 = tpu.memref_slice %arg4[%mul3A_2, %dma_start3A_30] : memref<10240x16xf32, #tpu.memory_space<hbm>> -> memref<640x16xf32, #tpu.memory_space<hbm>>
      tpu.enqueue_dma source(%dma_start3A_31 : memref<640x16xf32, #tpu.memory_space<hbm>>) target(%dma_start3A_29 : memref<640x16xf32, #tpu.memory_space<vmem_shared>>) target_semaphore(%run_scoped3A_28 : memref<!tpu.dma_semaphore, #tpu.memory_space<semaphore_mem>>)
      %dma_wait3A = arith.constant 0 : i32
      %dma_wait3A_32 = tpu.memref_slice %arg11[%mul3A_2, %dma_wait3A] : memref<10240x16xf32, #tpu.memory_space<vmem_shared>> -> memref<640x16xf32, #tpu.memory_space<vmem_shared>>
      %dma_wait3A_33 = arith.constant 0 : i32
      %dma_wait3A_34 = tpu.memref_slice %arg4[%mul3A_2, %dma_wait3A_33] : memref<10240x16xf32, #tpu.memory_space<hbm>> -> memref<640x16xf32, #tpu.memory_space<hbm>>
      tpu.wait_dma2 semaphore(%run_scoped3A_28 : memref<!tpu.dma_semaphore, #tpu.memory_space<semaphore_mem>>) src(%dma_wait3A_34 : memref<640x16xf32, #tpu.memory_space<hbm>>) dst(%dma_wait3A_32 : memref<640x16xf32, #tpu.memory_space<vmem_shared>>)
      tpu.yield
    }) : () -> ()
    "tpu.region"() ({
      %run_scoped3A_28 = tpu.sem_alloc : memref<!tpu.dma_semaphore, #tpu.memory_space<semaphore_mem>>
      %dma_start3A = arith.constant 0 : i32
      %dma_start3A_29 = tpu.memref_slice %arg12[%mul3A_2, %dma_start3A] : memref<10240x16xf32, #tpu.memory_space<vmem_shared>> -> memref<640x16xf32, #tpu.memory_space<vmem_shared>>
      %dma_start3A_30 = arith.constant 0 : i32
      %dma_start3A_31 = tpu.memref_slice %arg2[%mul3A_2, %dma_start3A_30] : memref<10240x16xf32, #tpu.memory_space<hbm>> -> memref<640x16xf32, #tpu.memory_space<hbm>>
      tpu.enqueue_dma source(%dma_start3A_31 : memref<640x16xf32, #tpu.memory_space<hbm>>) target(%dma_start3A_29 : memref<640x16xf32, #tpu.memory_space<vmem_shared>>) target_semaphore(%run_scoped3A_28 : memref<!tpu.dma_semaphore, #tpu.memory_space<semaphore_mem>>)
      %dma_wait3A = arith.constant 0 : i32
      %dma_wait3A_32 = tpu.memref_slice %arg12[%mul3A_2, %dma_wait3A] : memref<10240x16xf32, #tpu.memory_space<vmem_shared>> -> memref<640x16xf32, #tpu.memory_space<vmem_shared>>
      %dma_wait3A_33 = arith.constant 0 : i32
      %dma_wait3A_34 = tpu.memref_slice %arg2[%mul3A_2, %dma_wait3A_33] : memref<10240x16xf32, #tpu.memory_space<hbm>> -> memref<640x16xf32, #tpu.memory_space<hbm>>
      tpu.wait_dma2 semaphore(%run_scoped3A_28 : memref<!tpu.dma_semaphore, #tpu.memory_space<semaphore_mem>>) src(%dma_wait3A_34 : memref<640x16xf32, #tpu.memory_space<hbm>>) dst(%dma_wait3A_32 : memref<640x16xf32, #tpu.memory_space<vmem_shared>>)
      tpu.yield
    }) : () -> ()
    %run_scoped3A = arith.constant 0 : i32
    "tpu.region"() ({
      %run_scoped3A_28 = tpu.sem_alloc : memref<!tpu.dma_semaphore, #tpu.memory_space<semaphore_mem>>
      %dma_start3A = arith.constant 0 : i32
      %dma_start3A_29 = arith.constant 0 : i32
      %dma_start3A_30 = tpu.memref_slice %arg3[%run_scoped3A, %add3A, %dma_start3A, %dma_start3A_29] : memref<2x32x40x125xi32, #tpu.memory_space<hbm>> -> memref<1x1x40x125xi32, #tpu.memory_space<hbm>>
      %dma_start3A_31 = tpu.memref_squeeze %dma_start3A_30 : memref<1x1x40x125xi32, #tpu.memory_space<hbm>> -> memref<40x125xi32, #tpu.memory_space<hbm>>
      %dma_start3A_32 = arith.constant 0 : i32
      %dma_start3A_33 = arith.constant 0 : i32
      %dma_start3A_34 = tpu.memref_slice %arg3[%run_scoped3A, %add3A, %dma_start3A_32, %dma_start3A_33] : memref<2x32x40x125xi32, #tpu.memory_space<hbm>> -> memref<1x1x40x125xi32, #tpu.memory_space<hbm>>
      %dma_start3A_35 = tpu.memref_squeeze %dma_start3A_34 : memref<1x1x40x125xi32, #tpu.memory_space<hbm>> -> memref<40x125xi32, #tpu.memory_space<hbm>>
      tpu.enqueue_dma source(%dma_start3A_35 : memref<40x125xi32, #tpu.memory_space<hbm>>) target(%arg6 : memref<40x125xi32, #tpu.memory_space<vmem>>) target_semaphore(%run_scoped3A_28 : memref<!tpu.dma_semaphore, #tpu.memory_space<semaphore_mem>>)
      %dma_wait3A = arith.constant 0 : i32
      %dma_wait3A_36 = arith.constant 0 : i32
      %dma_wait3A_37 = tpu.memref_slice %arg3[%run_scoped3A, %add3A, %dma_wait3A, %dma_wait3A_36] : memref<2x32x40x125xi32, #tpu.memory_space<hbm>> -> memref<1x1x40x125xi32, #tpu.memory_space<hbm>>
      %dma_wait3A_38 = tpu.memref_squeeze %dma_wait3A_37 : memref<1x1x40x125xi32, #tpu.memory_space<hbm>> -> memref<40x125xi32, #tpu.memory_space<hbm>>
      %dma_wait3A_39 = arith.constant 0 : i32
      %dma_wait3A_40 = arith.constant 0 : i32
      %dma_wait3A_41 = tpu.memref_slice %arg3[%run_scoped3A, %add3A, %dma_wait3A_39, %dma_wait3A_40] : memref<2x32x40x125xi32, #tpu.memory_space<hbm>> -> memref<1x1x40x125xi32, #tpu.memory_space<hbm>>
      %dma_wait3A_42 = tpu.memref_squeeze %dma_wait3A_41 : memref<1x1x40x125xi32, #tpu.memory_space<hbm>> -> memref<40x125xi32, #tpu.memory_space<hbm>>
      tpu.wait_dma2 semaphore(%run_scoped3A_28 : memref<!tpu.dma_semaphore, #tpu.memory_space<semaphore_mem>>) src(%dma_wait3A_42 : memref<40x125xi32, #tpu.memory_space<hbm>>) dst(%arg6 : memref<40x125xi32, #tpu.memory_space<vmem>>)
      tpu.yield
    }) : () -> ()
    %run_scoped3A_3 = arith.constant 1 : i32
    "tpu.region"() ({
      %run_scoped3A_28 = tpu.sem_alloc : memref<!tpu.dma_semaphore, #tpu.memory_space<semaphore_mem>>
      %dma_start3A = arith.constant 0 : i32
      %dma_start3A_29 = arith.constant 0 : i32
      %dma_start3A_30 = tpu.memref_slice %arg3[%run_scoped3A_3, %add3A, %dma_start3A, %dma_start3A_29] : memref<2x32x40x125xi32, #tpu.memory_space<hbm>> -> memref<1x1x40x125xi32, #tpu.memory_space<hbm>>
      %dma_start3A_31 = tpu.memref_squeeze %dma_start3A_30 : memref<1x1x40x125xi32, #tpu.memory_space<hbm>> -> memref<40x125xi32, #tpu.memory_space<hbm>>
      %dma_start3A_32 = arith.constant 0 : i32
      %dma_start3A_33 = arith.constant 0 : i32
      %dma_start3A_34 = tpu.memref_slice %arg3[%run_scoped3A_3, %add3A, %dma_start3A_32, %dma_start3A_33] : memref<2x32x40x125xi32, #tpu.memory_space<hbm>> -> memref<1x1x40x125xi32, #tpu.memory_space<hbm>>
      %dma_start3A_35 = tpu.memref_squeeze %dma_start3A_34 : memref<1x1x40x125xi32, #tpu.memory_space<hbm>> -> memref<40x125xi32, #tpu.memory_space<hbm>>
      tpu.enqueue_dma source(%dma_start3A_35 : memref<40x125xi32, #tpu.memory_space<hbm>>) target(%arg7 : memref<40x125xi32, #tpu.memory_space<vmem>>) target_semaphore(%run_scoped3A_28 : memref<!tpu.dma_semaphore, #tpu.memory_space<semaphore_mem>>)
      %dma_wait3A = arith.constant 0 : i32
      %dma_wait3A_36 = arith.constant 0 : i32
      %dma_wait3A_37 = tpu.memref_slice %arg3[%run_scoped3A_3, %add3A, %dma_wait3A, %dma_wait3A_36] : memref<2x32x40x125xi32, #tpu.memory_space<hbm>> -> memref<1x1x40x125xi32, #tpu.memory_space<hbm>>
      %dma_wait3A_38 = tpu.memref_squeeze %dma_wait3A_37 : memref<1x1x40x125xi32, #tpu.memory_space<hbm>> -> memref<40x125xi32, #tpu.memory_space<hbm>>
      %dma_wait3A_39 = arith.constant 0 : i32
      %dma_wait3A_40 = arith.constant 0 : i32
      %dma_wait3A_41 = tpu.memref_slice %arg3[%run_scoped3A_3, %add3A, %dma_wait3A_39, %dma_wait3A_40] : memref<2x32x40x125xi32, #tpu.memory_space<hbm>> -> memref<1x1x40x125xi32, #tpu.memory_space<hbm>>
      %dma_wait3A_42 = tpu.memref_squeeze %dma_wait3A_41 : memref<1x1x40x125xi32, #tpu.memory_space<hbm>> -> memref<40x125xi32, #tpu.memory_space<hbm>>
      tpu.wait_dma2 semaphore(%run_scoped3A_28 : memref<!tpu.dma_semaphore, #tpu.memory_space<semaphore_mem>>) src(%dma_wait3A_42 : memref<40x125xi32, #tpu.memory_space<hbm>>) dst(%arg7 : memref<40x125xi32, #tpu.memory_space<vmem>>)
      tpu.yield
    }) : () -> ()
    %barrier3A = arith.constant 0 : index
    tpu.barrier barrier_id(%barrier3A)
    %scan3A = arith.constant 0 : i32
    %scan3A_4 = arith.constant 0 : i32
    %scan3A_5 = arith.constant 40 : i32
    %scan3A_6 = arith.addi %scan3A_4, %scan3A_5 : i32
    %scan3A_7 = arith.constant 1 : i32
    scf.for %scan3A_28 = %scan3A_4 to %scan3A_6 step %scan3A_7  : i32 {
      %mul3A_29 = arith.constant 125 : i32
      %mul3A_30 = arith.muli %scan3A_28, %mul3A_29 : i32
      %dma_start3A = arith.constant 0 : i32
      %dma_start3A_31 = tpu.memref_slice %arg8[%mul3A_30, %dma_start3A] : memref<5000x16xf32, #tpu.memory_space<vmem>> -> memref<125x16xf32, #tpu.memory_space<vmem>>
      %dma_start3A_32 = arith.constant 0 : i32
      %dma_start3A_33 = tpu.memref_slice %arg6[%scan3A_28, %dma_start3A_32] : memref<40x125xi32, #tpu.memory_space<vmem>> -> memref<1x125xi32, #tpu.memory_space<vmem>>
      %dma_start3A_34 = tpu.memref_squeeze %dma_start3A_33 : memref<1x125xi32, #tpu.memory_space<vmem>> -> memref<125xi32, #tpu.memory_space<vmem>>
      %dma_start3A_35 = arith.constant 0 : i32
      %dma_start3A_36 = arith.constant 0 : i32
      %dma_start3A_37 = tpu.memref_slice %arg12[%dma_start3A_35, %dma_start3A_36] : memref<10240x16xf32, #tpu.memory_space<vmem_shared>> -> memref<10240x16xf32, #tpu.memory_space<vmem_shared>>
      tpu.enqueue_indirect_dma source(%dma_start3A_37 : memref<10240x16xf32, #tpu.memory_space<vmem_shared>>) target(%dma_start3A_31 : memref<125x16xf32, #tpu.memory_space<vmem>>) offsets(%dma_start3A_34 : memref<125xi32, #tpu.memory_space<vmem>>) semaphore(%arg9 : memref<!tpu.dma_semaphore, #tpu.memory_space<semaphore_mem>>)
    }
    %scan3A_8 = arith.constant 40 : i32
    %scan3A_9 = arith.constant 0 : i32
    %scan3A_10 = arith.constant 0 : i32
    %scan3A_11 = arith.constant 40 : i32
    %scan3A_12 = arith.addi %scan3A_10, %scan3A_11 : i32
    %scan3A_13 = arith.constant 1 : i32
    scf.for %scan3A_28 = %scan3A_10 to %scan3A_12 step %scan3A_13  : i32 {
      %dma_wait3A = arith.constant 0 : i32
      %dma_wait3A_29 = arith.constant 0 : i32
      %dma_wait3A_30 = arith.constant 0 : i32
      %dma_wait3A_31 = tpu.memref_slice %arg8[%dma_wait3A_29, %dma_wait3A_30] : memref<5000x16xf32, #tpu.memory_space<vmem>> -> memref<125x16xf32, #tpu.memory_space<vmem>>
      %dma_wait3A_32 = arith.constant 0 : i32
      %dma_wait3A_33 = tpu.memref_slice %arg6[%dma_wait3A, %dma_wait3A_32] : memref<40x125xi32, #tpu.memory_space<vmem>> -> memref<1x125xi32, #tpu.memory_space<vmem>>
      %dma_wait3A_34 = tpu.memref_squeeze %dma_wait3A_33 : memref<1x125xi32, #tpu.memory_space<vmem>> -> memref<125xi32, #tpu.memory_space<vmem>>
      %dma_wait3A_35 = arith.constant 0 : i32
      %dma_wait3A_36 = arith.constant 0 : i32
      %dma_wait3A_37 = tpu.memref_slice %arg12[%dma_wait3A_35, %dma_wait3A_36] : memref<10240x16xf32, #tpu.memory_space<vmem_shared>> -> memref<10240x16xf32, #tpu.memory_space<vmem_shared>>
      tpu.wait_indirect_dma semaphore(%arg9 : memref<!tpu.dma_semaphore, #tpu.memory_space<semaphore_mem>>) src(%dma_wait3A_37 : memref<10240x16xf32, #tpu.memory_space<vmem_shared>>) dst(%dma_wait3A_31 : memref<125x16xf32, #tpu.memory_space<vmem>>)
    }
    %scan3A_14 = arith.constant 40 : i32
    %scan3A_15 = arith.constant 0 : i32
    %scan3A_16 = arith.constant 0 : i32
    %scan3A_17 = arith.constant 40 : i32
    %scan3A_18 = arith.addi %scan3A_16, %scan3A_17 : i32
    %scan3A_19 = arith.constant 1 : i32
    scf.for %scan3A_28 = %scan3A_16 to %scan3A_18 step %scan3A_19  : i32 {
      %mul3A_29 = arith.constant 125 : i32
      %mul3A_30 = arith.muli %scan3A_28, %mul3A_29 : i32
      %dma_start3A = arith.constant 0 : i32
      %dma_start3A_31 = tpu.memref_slice %arg8[%mul3A_30, %dma_start3A] : memref<5000x16xf32, #tpu.memory_space<vmem>> -> memref<125x16xf32, #tpu.memory_space<vmem>>
      %dma_start3A_32 = arith.constant 0 : i32
      %dma_start3A_33 = tpu.memref_slice %arg7[%scan3A_28, %dma_start3A_32] : memref<40x125xi32, #tpu.memory_space<vmem>> -> memref<1x125xi32, #tpu.memory_space<vmem>>
      %dma_start3A_34 = tpu.memref_squeeze %dma_start3A_33 : memref<1x125xi32, #tpu.memory_space<vmem>> -> memref<125xi32, #tpu.memory_space<vmem>>
      %dma_start3A_35 = arith.constant 0 : i32
      %dma_start3A_36 = arith.constant 0 : i32
      %dma_start3A_37 = tpu.memref_slice %arg11[%dma_start3A_35, %dma_start3A_36] : memref<10240x16xf32, #tpu.memory_space<vmem_shared>> -> memref<10240x16xf32, #tpu.memory_space<vmem_shared>>
      tpu.enqueue_indirect_dma source(%dma_start3A_31 : memref<125x16xf32, #tpu.memory_space<vmem>>) target(%dma_start3A_37 : memref<10240x16xf32, #tpu.memory_space<vmem_shared>>) offsets(%dma_start3A_34 : memref<125xi32, #tpu.memory_space<vmem>>) semaphore(%arg10 : memref<!tpu.dma_semaphore, #tpu.memory_space<semaphore_mem>>) {add = true}
    }
    %scan3A_20 = arith.constant 40 : i32
    %scan3A_21 = arith.constant 0 : i32
    %scan3A_22 = arith.constant 0 : i32
    %scan3A_23 = arith.constant 40 : i32
    %scan3A_24 = arith.addi %scan3A_22, %scan3A_23 : i32
    %scan3A_25 = arith.constant 1 : i32
    scf.for %scan3A_28 = %scan3A_22 to %scan3A_24 step %scan3A_25  : i32 {
      %dma_wait3A = arith.constant 0 : i32
      %dma_wait3A_29 = arith.constant 0 : i32
      %dma_wait3A_30 = arith.constant 0 : i32
      %dma_wait3A_31 = tpu.memref_slice %arg8[%dma_wait3A_29, %dma_wait3A_30] : memref<5000x16xf32, #tpu.memory_space<vmem>> -> memref<125x16xf32, #tpu.memory_space<vmem>>
      %dma_wait3A_32 = arith.constant 0 : i32
      %dma_wait3A_33 = tpu.memref_slice %arg7[%dma_wait3A, %dma_wait3A_32] : memref<40x125xi32, #tpu.memory_space<vmem>> -> memref<1x125xi32, #tpu.memory_space<vmem>>
      %dma_wait3A_34 = tpu.memref_squeeze %dma_wait3A_33 : memref<1x125xi32, #tpu.memory_space<vmem>> -> memref<125xi32, #tpu.memory_space<vmem>>
      %dma_wait3A_35 = arith.constant 0 : i32
      %dma_wait3A_36 = arith.constant 0 : i32
      %dma_wait3A_37 = tpu.memref_slice %arg11[%dma_wait3A_35, %dma_wait3A_36] : memref<10240x16xf32, #tpu.memory_space<vmem_shared>> -> memref<10240x16xf32, #tpu.memory_space<vmem_shared>>
      tpu.wait_indirect_dma semaphore(%arg10 : memref<!tpu.dma_semaphore, #tpu.memory_space<semaphore_mem>>) src(%dma_wait3A_31 : memref<125x16xf32, #tpu.memory_space<vmem>>) dst(%dma_wait3A_37 : memref<10240x16xf32, #tpu.memory_space<vmem_shared>>)
    }
    %scan3A_26 = arith.constant 40 : i32
    %barrier3A_27 = arith.constant 0 : index
    tpu.barrier barrier_id(%barrier3A_27)
    "tpu.region"() ({
      %run_scoped3A_28 = tpu.sem_alloc : memref<!tpu.dma_semaphore, #tpu.memory_space<semaphore_mem>>
      %dma_start3A = arith.constant 0 : i32
      %dma_start3A_29 = tpu.memref_slice %arg5[%arg0, %mul3A_2, %dma_start3A] : memref<2x10240x16xf32, #tpu.memory_space<hbm>> -> memref<1x640x16xf32, #tpu.memory_space<hbm>>
      %dma_start3A_30 = tpu.memref_squeeze %dma_start3A_29 : memref<1x640x16xf32, #tpu.memory_space<hbm>> -> memref<640x16xf32, #tpu.memory_space<hbm>>
      %dma_start3A_31 = arith.constant 0 : i32
      %dma_start3A_32 = tpu.memref_slice %arg11[%mul3A_2, %dma_start3A_31] : memref<10240x16xf32, #tpu.memory_space<vmem_shared>> -> memref<640x16xf32, #tpu.memory_space<vmem_shared>>
      tpu.enqueue_dma source(%dma_start3A_32 : memref<640x16xf32, #tpu.memory_space<vmem_shared>>) target(%dma_start3A_30 : memref<640x16xf32, #tpu.memory_space<hbm>>) target_semaphore(%run_scoped3A_28 : memref<!tpu.dma_semaphore, #tpu.memory_space<semaphore_mem>>)
      %dma_wait3A = arith.constant 0 : i32
      %dma_wait3A_33 = tpu.memref_slice %arg5[%arg0, %mul3A_2, %dma_wait3A] : memref<2x10240x16xf32, #tpu.memory_space<hbm>> -> memref<1x640x16xf32, #tpu.memory_space<hbm>>
      %dma_wait3A_34 = tpu.memref_squeeze %dma_wait3A_33 : memref<1x640x16xf32, #tpu.memory_space<hbm>> -> memref<640x16xf32, #tpu.memory_space<hbm>>
      %dma_wait3A_35 = arith.constant 0 : i32
      %dma_wait3A_36 = tpu.memref_slice %arg11[%mul3A_2, %dma_wait3A_35] : memref<10240x16xf32, #tpu.memory_space<vmem_shared>> -> memref<640x16xf32, #tpu.memory_space<vmem_shared>>
      tpu.wait_dma2 semaphore(%run_scoped3A_28 : memref<!tpu.dma_semaphore, #tpu.memory_space<semaphore_mem>>) src(%dma_wait3A_36 : memref<640x16xf32, #tpu.memory_space<vmem_shared>>) dst(%dma_wait3A_34 : memref<640x16xf32, #tpu.memory_space<hbm>>)
      tpu.yield
    }) : () -> ()
    return
  }
}

module attributes {stable_mosaic.version = 14 : i64} {
  func.func @_mm_body(%arg0: i32, %arg1: memref<500x2048xf32, #tpu.memory_space<vmem>>, %arg2: memref<500x16xf32, #tpu.memory_space<vmem>>, %arg3: memref<2048x16xf32, #tpu.memory_space<vmem>>) attributes {dimension_semantics = [#tpu.dimension_semantics<arbitrary>], iteration_bounds = array<i64: 5>, scalar_prefetch = 0 : i64, scratch_operands = 0 : i64, tpu.core_type = #tpu.core_type<tc>, window_params = [{transform_indices = @transform_0, window_bounds = array<i64: 500, 2048>}, {pipeline_mode = #tpu.pipeline_mode<synchronous>, transform_indices = @transform_1, window_bounds = array<i64: 500, 16>}, {transform_indices = @transform_2, window_bounds = array<i64: 2048, 16>}]} {
    %get3A = arith.constant 0 : index
    %get3A_0 = arith.constant 0 : index
    %get3A_1 = vector.load %arg1[%get3A, %get3A_0] : memref<500x2048xf32, #tpu.memory_space<vmem>>, vector<500x2048xf32>
    %get3A_2 = arith.constant 0 : index
    %get3A_3 = arith.constant 0 : index
    %get3A_4 = vector.load %arg2[%get3A_2, %get3A_3] : memref<500x16xf32, #tpu.memory_space<vmem>>, vector<500x16xf32>
    %dot_general3A = arith.constant dense<0.000000e+00> : vector<2048x16xf32>
    %dot_general3A_5 = tpu.matmul %get3A_1, %get3A_4, %dot_general3A {dimension_numbers = #tpu.dot_dimension_numbers<[0], [0], [1], [1], [0, 1, 1, 1], [], []>, transpose_lhs_hint = false} : vector<500x2048xf32>, vector<500x16xf32>, vector<2048x16xf32> -> vector<2048x16xf32>
    %swap3A = arith.constant 0 : index
    %swap3A_6 = arith.constant 0 : index
    %swap3A_7 = vector.load %arg3[%swap3A, %swap3A_6] : memref<2048x16xf32, #tpu.memory_space<vmem>>, vector<2048x16xf32>
    tpu.vector_store %arg3[%swap3A, %swap3A_6], %dot_general3A_5 {strides = array<i32>} : memref<2048x16xf32, #tpu.memory_space<vmem>>, vector<2048x16xf32>,
    return
  }
  func.func @transform_0(%arg0: i32) -> (i32, i32) {
    %c0_i32 = arith.constant 0 : i32
    %c0_i32_0 = arith.constant 0 : i32
    return %c0_i32, %arg0 : i32, i32
  }
  func.func @transform_1(%arg0: i32) -> (i32, i32) {
    %c0_i32 = arith.constant 0 : i32
    %c0_i32_0 = arith.constant 0 : i32
    %c0_i32_1 = arith.constant 0 : i32
    return %c0_i32, %c0_i32_0 : i32, i32
  }
  func.func @transform_2(%arg0: i32) -> (i32, i32) {
    %c0_i32 = arith.constant 0 : i32
    %c0_i32_0 = arith.constant 0 : i32
    return %arg0, %c0_i32 : i32, i32
  }
}

module attributes {stable_mosaic.version = 14 : i64} {
  func.func @_prep_body(%arg0: memref<1280x128xf32, #tpu.memory_space<vmem>>, %arg1: memref<2x1280x128xf32, #tpu.memory_space<vmem>>, %arg2: memref<1280x128xf32, #tpu.memory_space<vmem>>, %arg3: memref<1280x128xf32, #tpu.memory_space<vmem>>) attributes {dimension_semantics = [], scalar_prefetch = 0 : i64, scratch_operands = 0 : i64, tpu.core_type = #tpu.core_type<tc>} {
    %get3A = arith.constant 0 : index
    %get3A_0 = arith.constant 0 : index
    %get3A_1 = arith.constant 0 : index
    %get3A_2 = vector.load %arg1[%get3A, %get3A_0, %get3A_1] : memref<2x1280x128xf32, #tpu.memory_space<vmem>>, vector<1x1280x128xf32>
    %get3A_3 = vector.shape_cast %get3A_2 : vector<1x1280x128xf32> to vector<1280x128xf32>
    %get3A_4 = arith.constant 1 : index
    %get3A_5 = arith.constant 0 : index
    %get3A_6 = arith.constant 0 : index
    %get3A_7 = vector.load %arg1[%get3A_4, %get3A_5, %get3A_6] : memref<2x1280x128xf32, #tpu.memory_space<vmem>>, vector<1x1280x128xf32>
    %get3A_8 = vector.shape_cast %get3A_7 : vector<1x1280x128xf32> to vector<1280x128xf32>
    %add3A = arith.addf %get3A_3, %get3A_8 : vector<1280x128xf32>
    %add3A_9 = arith.constant 1.000000e+00 : f32
    %add3A_10 = vector.broadcast %add3A_9 : f32 to vector<1280x128xf32>
    %add3A_11 = arith.addf %add3A, %add3A_10 : vector<1280x128xf32>
    %rsqrt3A = math.rsqrt %add3A_11 : vector<1280x128xf32>
    %swap3A = arith.constant 0 : index
    %swap3A_12 = arith.constant 0 : index
    %swap3A_13 = vector.load %arg3[%swap3A, %swap3A_12] : memref<1280x128xf32, #tpu.memory_space<vmem>>, vector<1280x128xf32>
    tpu.vector_store %arg3[%swap3A, %swap3A_12], %rsqrt3A {strides = array<i32>} : memref<1280x128xf32, #tpu.memory_space<vmem>>, vector<1280x128xf32>,
    %get3A_14 = arith.constant 0 : index
    %get3A_15 = arith.constant 0 : index
    %get3A_16 = vector.load %arg0[%get3A_14, %get3A_15] : memref<1280x128xf32, #tpu.memory_space<vmem>>, vector<1250x128xf32>
    %slice3A = vector.extract_strided_slice %rsqrt3A {offsets = [0, 0], sizes = [1250, 128], strides = [1, 1]} : vector<1280x128xf32> to vector<1250x128xf32>
    %mul3A = arith.mulf %get3A_16, %slice3A : vector<1250x128xf32>
    %swap3A_17 = arith.constant 0 : index
    %swap3A_18 = arith.constant 0 : index
    %swap3A_19 = vector.load %arg2[%swap3A_17, %swap3A_18] : memref<1280x128xf32, #tpu.memory_space<vmem>>, vector<1250x128xf32>
    tpu.vector_store %arg2[%swap3A_17, %swap3A_18], %mul3A {strides = array<i32>} : memref<1280x128xf32, #tpu.memory_space<vmem>>, vector<1250x128xf32>,
    %broadcast_in_dim3A = arith.constant 0.000000e+00 : f32
    %broadcast_in_dim3A_20 = vector.broadcast %broadcast_in_dim3A : f32 to vector<30x128xf32>
    %swap3A_21 = arith.constant 1250 : index
    %swap3A_22 = arith.constant 0 : index
    %swap3A_23 = vector.load %arg2[%swap3A_21, %swap3A_22] : memref<1280x128xf32, #tpu.memory_space<vmem>>, vector<30x128xf32>
    tpu.vector_store %arg2[%swap3A_21, %swap3A_22], %broadcast_in_dim3A_20 {strides = array<i32>} : memref<1280x128xf32, #tpu.memory_space<vmem>>, vector<30x128xf32>,
    return
  }
}

module attributes {stable_mosaic.version = 14 : i64} {
  func.func @_mid_body(%arg0: memref<2x1280x128xf32, #tpu.memory_space<vmem>>, %arg1: memref<1280x128xf32, #tpu.memory_space<vmem>>, %arg2: memref<1280x128xf32, #tpu.memory_space<vmem>>, %arg3: memref<1x128xf32, #tpu.memory_space<vmem>>, %arg4: memref<1280x128xf32, #tpu.memory_space<vmem>>) attributes {dimension_semantics = [], scalar_prefetch = 0 : i64, scratch_operands = 0 : i64, tpu.core_type = #tpu.core_type<tc>} {
    %get3A = arith.constant 0 : index
    %get3A_0 = arith.constant 0 : index
    %get3A_1 = arith.constant 0 : index
    %get3A_2 = vector.load %arg0[%get3A, %get3A_0, %get3A_1] : memref<2x1280x128xf32, #tpu.memory_space<vmem>>, vector<1x1280x128xf32>
    %get3A_3 = vector.shape_cast %get3A_2 : vector<1x1280x128xf32> to vector<1280x128xf32>
    %get3A_4 = arith.constant 1 : index
    %get3A_5 = arith.constant 0 : index
    %get3A_6 = arith.constant 0 : index
    %get3A_7 = vector.load %arg0[%get3A_4, %get3A_5, %get3A_6] : memref<2x1280x128xf32, #tpu.memory_space<vmem>>, vector<1x1280x128xf32>
    %get3A_8 = vector.shape_cast %get3A_7 : vector<1x1280x128xf32> to vector<1280x128xf32>
    %add3A = arith.addf %get3A_3, %get3A_8 : vector<1280x128xf32>
    %get3A_9 = arith.constant 0 : index
    %get3A_10 = arith.constant 0 : index
    %get3A_11 = vector.load %arg1[%get3A_9, %get3A_10] : memref<1280x128xf32, #tpu.memory_space<vmem>>, vector<1280x128xf32>
    %add3A_12 = arith.addf %add3A, %get3A_11 : vector<1280x128xf32>
    %get3A_13 = arith.constant 0 : index
    %get3A_14 = arith.constant 0 : index
    %get3A_15 = vector.load %arg2[%get3A_13, %get3A_14] : memref<1280x128xf32, #tpu.memory_space<vmem>>, vector<1280x128xf32>
    %mul3A = arith.mulf %add3A_12, %get3A_15 : vector<1280x128xf32>
    %get3A_16 = arith.constant 0 : index
    %get3A_17 = arith.constant 0 : index
    %get3A_18 = vector.load %arg3[%get3A_16, %get3A_17] : memref<1x128xf32, #tpu.memory_space<vmem>>, vector<1x128xf32>
    %add3A_19 = vector.broadcast %get3A_18 : vector<1x128xf32> to vector<1280x128xf32>
    %add3A_20 = arith.addf %mul3A, %add3A_19 : vector<1280x128xf32>
    %max3A = arith.constant 0.000000e+00 : f32
    %max3A_21 = vector.broadcast %max3A : f32 to vector<1280x128xf32>
    %max3A_22 = arith.maximumf %add3A_20, %max3A_21 : vector<1280x128xf32>
    %get3A_23 = arith.constant 0 : index
    %get3A_24 = arith.constant 0 : index
    %get3A_25 = vector.load %arg2[%get3A_23, %get3A_24] : memref<1280x128xf32, #tpu.memory_space<vmem>>, vector<1280x128xf32>
    %mul3A_26 = arith.mulf %max3A_22, %get3A_25 : vector<1280x128xf32>
    %iota3A = tpu.iota {dimensions = array<i32: 0>} : vector<1280x128xi32>
    %lt3A = arith.constant 1250 : i32
    %lt3A_27 = vector.broadcast %lt3A : i32 to vector<1280x128xi32>
    %lt3A_28 = arith.cmpi slt, %iota3A, %lt3A_27 : vector<1280x128xi32>
    %jit3A = arith.constant 0.000000e+00 : f32
    %broadcast_in_dim3A = vector.broadcast %jit3A : f32 to vector<1280x128xf32>
    %select_n3A = arith.select %lt3A_28, %mul3A_26, %broadcast_in_dim3A : vector<1280x128xi1>, vector<1280x128xf32>
    %swap3A = arith.constant 0 : index
    %swap3A_29 = arith.constant 0 : index
    %swap3A_30 = vector.load %arg4[%swap3A, %swap3A_29] : memref<1280x128xf32, #tpu.memory_space<vmem>>, vector<1280x128xf32>
    tpu.vector_store %arg4[%swap3A, %swap3A_29], %select_n3A {strides = array<i32>} : memref<1280x128xf32, #tpu.memory_space<vmem>>, vector<1280x128xf32>,
    return
  }
}

module attributes {stable_mosaic.version = 14 : i64} {
  func.func @_fin_body(%arg0: memref<2x1280x128xf32, #tpu.memory_space<vmem>>, %arg1: memref<1280x128xf32, #tpu.memory_space<vmem>>, %arg2: memref<1280x128xf32, #tpu.memory_space<vmem>>, %arg3: memref<128x128xf32, #tpu.memory_space<vmem>>, %arg4: memref<1x128xf32, #tpu.memory_space<vmem>>, %arg5: memref<128x128xf32, #tpu.memory_space<vmem>>, %arg6: memref<1280x128xf32, #tpu.memory_space<vmem>>) attributes {dimension_semantics = [], scalar_prefetch = 0 : i64, scratch_operands = 0 : i64, tpu.core_type = #tpu.core_type<tc>} {
    %get3A = arith.constant 0 : index
    %get3A_0 = arith.constant 0 : index
    %get3A_1 = arith.constant 0 : index
    %get3A_2 = vector.load %arg0[%get3A, %get3A_0, %get3A_1] : memref<2x1280x128xf32, #tpu.memory_space<vmem>>, vector<1x1280x128xf32>
    %get3A_3 = vector.shape_cast %get3A_2 : vector<1x1280x128xf32> to vector<1280x128xf32>
    %get3A_4 = arith.constant 1 : index
    %get3A_5 = arith.constant 0 : index
    %get3A_6 = arith.constant 0 : index
    %get3A_7 = vector.load %arg0[%get3A_4, %get3A_5, %get3A_6] : memref<2x1280x128xf32, #tpu.memory_space<vmem>>, vector<1x1280x128xf32>
    %get3A_8 = vector.shape_cast %get3A_7 : vector<1x1280x128xf32> to vector<1280x128xf32>
    %add3A = arith.addf %get3A_3, %get3A_8 : vector<1280x128xf32>
    %get3A_9 = arith.constant 0 : index
    %get3A_10 = arith.constant 0 : index
    %get3A_11 = vector.load %arg1[%get3A_9, %get3A_10] : memref<1280x128xf32, #tpu.memory_space<vmem>>, vector<1280x128xf32>
    %add3A_12 = arith.addf %add3A, %get3A_11 : vector<1280x128xf32>
    %get3A_13 = arith.constant 0 : index
    %get3A_14 = arith.constant 0 : index
    %get3A_15 = vector.load %arg2[%get3A_13, %get3A_14] : memref<1280x128xf32, #tpu.memory_space<vmem>>, vector<1280x128xf32>
    %mul3A = arith.mulf %add3A_12, %get3A_15 : vector<1280x128xf32>
    %get3A_16 = arith.constant 0 : index
    %get3A_17 = arith.constant 0 : index
    %get3A_18 = vector.load %arg3[%get3A_16, %get3A_17] : memref<128x128xf32, #tpu.memory_space<vmem>>, vector<128x128xf32>
    %dot_general3A = arith.constant dense<0.000000e+00> : vector<1280x128xf32>
    %dot_general3A_19 = tpu.matmul %mul3A, %get3A_18, %dot_general3A {dimension_numbers = #tpu.dot_dimension_numbers<[1], [0], [0], [1], [0, 0, 1, 1], [], []>, transpose_lhs_hint = false} : vector<1280x128xf32>, vector<128x128xf32>, vector<1280x128xf32> -> vector<1280x128xf32>
    %get3A_20 = arith.constant 0 : index
    %get3A_21 = arith.constant 0 : index
    %get3A_22 = vector.load %arg4[%get3A_20, %get3A_21] : memref<1x128xf32, #tpu.memory_space<vmem>>, vector<1x128xf32>
    %add3A_23 = vector.broadcast %get3A_22 : vector<1x128xf32> to vector<1280x128xf32>
    %add3A_24 = arith.addf %dot_general3A_19, %add3A_23 : vector<1280x128xf32>
    %iota3A = tpu.iota {dimensions = array<i32: 1>} : vector<1280x128xi32>
    %jit3A = arith.constant 16 : i32
    %eq3A = arith.constant 0 : i32
    %eq3A_25 = arith.cmpi eq, %jit3A, %eq3A : i32
    %jit3A_26 = arith.constant 1 : i32
    %select_n3A = arith.select %eq3A_25, %jit3A_26, %jit3A : i32
    %rem3A = vector.broadcast %select_n3A : i32 to vector<1280x128xi32>
    %rem3A_27 = arith.remsi %iota3A, %rem3A : vector<1280x128xi32>
    %ne3A = arith.constant 0 : i32
    %ne3A_28 = vector.broadcast %ne3A : i32 to vector<1280x128xi32>
    %ne3A_29 = arith.cmpi ne, %rem3A_27, %ne3A_28 : vector<1280x128xi32>
    %lt3A = arith.constant 0 : i32
    %lt3A_30 = vector.broadcast %lt3A : i32 to vector<1280x128xi32>
    %lt3A_31 = arith.cmpi slt, %rem3A_27, %lt3A_30 : vector<1280x128xi32>
    %lt3A_32 = arith.constant 0 : i32
    %lt3A_33 = arith.cmpi slt, %select_n3A, %lt3A_32 : i32
    %ne3A_34 = vector.broadcast %lt3A_33 : i1 to vector<1280x128xi1>
    %ne3A_35 = vector.broadcast %ne3A_34 : vector<1280x128xi1> to vector<1280x128xi1>
    %ne3A_36 = arith.xori %lt3A_31, %ne3A_35 : vector<1280x128xi1>
    %and3A = arith.andi %ne3A_36, %ne3A_29 : vector<1280x128xi1>
    %add3A_37 = vector.broadcast %select_n3A : i32 to vector<1280x128xi32>
    %add3A_38 = arith.addi %rem3A_27, %add3A_37 : vector<1280x128xi32>
    %select_n3A_39 = arith.select %and3A, %add3A_38, %rem3A_27 : vector<1280x128xi1>, vector<1280x128xi32>
    %lt3A_40 = arith.constant 3 : i32
    %lt3A_41 = vector.broadcast %lt3A_40 : i32 to vector<1280x128xi32>
    %lt3A_42 = arith.cmpi slt, %select_n3A_39, %lt3A_41 : vector<1280x128xi32>
    %jit3A_43 = arith.constant -1.000000e+30 : f32
    %broadcast_in_dim3A = vector.broadcast %jit3A_43 : f32 to vector<1280x128xf32>
    %select_n3A_44 = arith.select %lt3A_42, %add3A_24, %broadcast_in_dim3A : vector<1280x128xi1>, vector<1280x128xf32>
    %reduce_max3A = arith.constant dense<0xFF800000> : vector<1280xf32>
    %reduce_max3A_45 = vector.multi_reduction <maximumf>, %select_n3A_44, %reduce_max3A [1] : vector<1280x128xf32> to vector<1280xf32>
    %broadcast_in_dim3A_46 = vector.shape_cast %reduce_max3A_45 : vector<1280xf32> to vector<1280x1xf32>
    %sub3A = vector.broadcast %broadcast_in_dim3A_46 : vector<1280x1xf32> to vector<1280x128xf32>
    %sub3A_47 = arith.subf %add3A_24, %sub3A : vector<1280x128xf32>
    %exp3A = math.exp %sub3A_47 : vector<1280x128xf32>
    %jit3A_48 = arith.constant 0.000000e+00 : f32
    %broadcast_in_dim3A_49 = vector.broadcast %jit3A_48 : f32 to vector<1280x128xf32>
    %select_n3A_50 = arith.select %lt3A_42, %exp3A, %broadcast_in_dim3A_49 : vector<1280x128xi1>, vector<1280x128xf32>
    %get3A_51 = arith.constant 0 : index
    %get3A_52 = arith.constant 0 : index
    %get3A_53 = vector.load %arg5[%get3A_51, %get3A_52] : memref<128x128xf32, #tpu.memory_space<vmem>>, vector<128x128xf32>
    %dot_general3A_54 = arith.constant dense<0.000000e+00> : vector<1280x128xf32>
    %dot_general3A_55 = tpu.matmul %select_n3A_50, %get3A_53, %dot_general3A_54 {dimension_numbers = #tpu.dot_dimension_numbers<[1], [0], [0], [1], [0, 0, 1, 1], [], []>, transpose_lhs_hint = false} : vector<1280x128xf32>, vector<128x128xf32>, vector<1280x128xf32> -> vector<1280x128xf32>
    %sub3A_56 = vector.broadcast %broadcast_in_dim3A_46 : vector<1280x1xf32> to vector<1280x128xf32>
    %sub3A_57 = arith.subf %add3A_24, %sub3A_56 : vector<1280x128xf32>
    %log3A = math.log %dot_general3A_55 : vector<1280x128xf32>
    %sub3A_58 = arith.subf %sub3A_57, %log3A : vector<1280x128xf32>
    %swap3A = arith.constant 0 : index
    %swap3A_59 = arith.constant 0 : index
    %swap3A_60 = vector.load %arg6[%swap3A, %swap3A_59] : memref<1280x128xf32, #tpu.memory_space<vmem>>, vector<1280x128xf32>
    tpu.vector_store %arg6[%swap3A, %swap3A_59], %sub3A_58 {strides = array<i32>} : memref<1280x128xf32, #tpu.memory_space<vmem>>, vector<1280x128xf32>,
    return
  }
}

</mosaic_0001>

<sc_bundles>
// kernel: kernel.12.cloned.1.call-start
scs
__scs_entry_jumppad:
0x0: {  	(pc) =	sbr.rel $0x88, $3  }
0x1: {  	(tag) =	ssettag $0x0;
	lr =	simm.s32 $0x1  }
0x2: {  	[smem:$0x3F9B] =	sst lr;
	_ =	strace $0xD0000000  }
0x3: {  	_ = 	snop  }
0x4: {  	_ = 	snop  }
0x5: {  	_ = 	snop  }
0x6: {  	_ = 	snop  }
0x7: {  	_ = 	snop  }
__scs_overlays_trampoline_lowered:
0x8: {  	[smem:$0x3FAA] =	sst s0  }
0x9: {  	[smem:$0x3FAB] =	sst s1  }
0xa: {  	[smem:$0x3FAC] =	sst s2  }
0xb: {  	[smem:$0x3FAD] =	sst s3  }
0xc: {  	[smem:$0x3FAE] =	sst s4  }
0xd: {  	[smem:$0x3FAF] =	sst s5  }
0xe: {  	[smem:$0x3FB0] =	sst s6  }
0xf: {  	[smem:$0x3FB1] =	sst s7  }
0x10: {  	[smem:$0x3FB2] =	sst s8  }
0x11: {  	[smem:$0x3FB3] =	sst s9;
	s0 =	simm.s32 @!p0 $0x0  }
0x12: {  	s1 =	sld [smem:$0x3F99];
	s0 =	simm.s32 @p0 $0x1  }
0x13: {  	[smem:$0x3FB4] =	sst s0;
	s0 =	simm.s32 @!p1 $0x0  }
0x14: {  	s2 =	sld [smem:$0x3F98];
	s0 =	simm.s32 @p1 $0x1  }
0x15: {  	[smem:$0x3FB5] =	sst s0;
	s0 =	simm.s32 @!p2 $0x0  }
0x16: {  	s3 =	sld [smem:$0x3FDB];
	s0 =	simm.s32 @p2 $0x1  }
0x17: {  	s4 =	simm.s32 $0x1BF5;
	[smem:$0x3FB7] =	sst s0  }
0x18: {  	s0 =	sld [smem:$0x3F9A];
	_ =	swait.ge [sflag:s4], $0x0  }
0x19: {  	s7 =	sld [smem:$0x3F9B]  }
0x1a: {  	s8 =	sadd.s32 $0xFFFFE003, lr  }
0x1b: {  	s9 =	sadd.s32 $0xFFFFFEF7, lr;
	s5 =	simm.s32 $0xFFFFFFFF;
	p2 =	slt.u32 s8, $0xFFFFF086  }
0x1c: {  	p1 =	slt.u32 s9, $0xF7A;
	s5 =	simm.s32 @!p2 $0x0  }
0x1d: {  	s5 =	simm.s32 @p1 $0x1;
	p0 =	seq.s32 s7, s2  }
0x1e: {  	s7 =	smul.u32 @!p0 $0xF7A, s2;
	p2 =	seq.s32 @!p0 s5, $0x0  }
0x1f: {  	s9 =	smul.u32 $0xF7A, s1;
	s8 =	simm.s32 @!p0 $0x1BF5;
	p2 =	por !p2, p0  }
0x20: {  	[sflag:s8] =	ssyncset.s32 @!p0 $0xFFFFF086;
	s6 =	sadd.s32 @!p0 s3, s7;
	s7 =	simm.s32 @!p0 $0x108  }
0x21: {  	s3 =	sadd.s32 s3, s9;
	s6 =	sadd.s32 @!p0 $0x88, s6;
	s7 =	simm.s32 @p2 $0x1082  }
0x22: {  	[simem:s7], [sflag:s8] =	dma.local @!p0 [hbm:s6], $0xF7A  }
0x23: {  	s9 =	sor.u32 $0xD0000000, s2;
	s6 =	simm.s32 $0x108;
	_ =	swait.ge @!p0 [sflag:s8], $0x0  }
0x24: {  	s3 =	sadd.s32 $0x88, s3;
	s6 =	simm.s32 @!p1 $0x1082;
	[sflag:s4] =	ssyncset.s32 $0xFFFFF086  }
0x25: {  	[simem:s6], [sflag:s4] =	dma.local [hbm:s3], $0xF7A  }
0x26: {  	[smem:$0x3F9B] =	sst s1;
	(tag) =	ssettag s2;
	_ =	strace s9  }
0x27: {  	s1 =	sld [smem:$0x3FAB]  }
0x28: {  	s2 =	sld [smem:$0x3FAC]  }
0x29: {  	s4 =	sld [smem:$0x3FAE]  }
0x2a: {  	p0 =	seq.s32 s5, $0x0;
	s5 =	sld [smem:$0x3FAF]  }
0x2b: {  	s6 =	sld [smem:$0x3FB0]  }
0x2c: {  	s7 =	sld [smem:$0x3FB1]  }
0x2d: {  	s3 =	simm.s32 $0x108;
	s8 =	sld [smem:$0x3FB2]  }
0x2e: {  	s3 =	simm.s32 @!p0 $0x1082;
	s9 =	sld [smem:$0x3FB3]  }
0x2f: {  	lr =	sadd.s32 s0, s3;
	s0 =	sld [smem:$0x3FAA]  }
0x30: {  	s3 =	sld [smem:$0x3FAD]  }
0x31: {  	[smem:$0x3FB6] =	sst s10  }
0x32: {  	s10 =	sld [smem:$0x3FB4];
	_ =	sdelay $0x3  }
0x33: {  	p0 =	seq.s32 s10, $0x1;
	s10 =	sld [smem:$0x3FB6];
	_ =	sdelay $0x3  }
0x34: {  	[smem:$0x3FB6] =	sst s10  }
0x35: {  	s10 =	sld [smem:$0x3FB5];
	_ =	sdelay $0x3  }
0x36: {  	p1 =	seq.s32 s10, $0x1;
	s10 =	sld [smem:$0x3FB6];
	_ =	sdelay $0x3  }
0x37: {  	[smem:$0x3FB6] =	sst s10  }
0x38: {  	s10 =	sld [smem:$0x3FB7]  }
0x39: {  	_ = 	snop;
	(pc) =	sbr.ind lr, $3  }
0x3a: {  	_ = 	snop  }
0x3b: {  	_ = 	snop  }
0x3c: {  	p2 =	seq.s32 s10, $0x1;
	s10 =	sld [smem:$0x3FB6]  }
0x3d: {  	_ =	shalt  }
0x3e: {  	_ =	shalt  }
0x3f: {  	_ =	shalt  }
0x40: {  	_ =	shalt  }
0x41: {  	_ =	shalt  }
0x42: {  	_ =	shalt  }
0x43: {  	_ =	shalt  }
0x44: {  	_ =	shalt  }
0x45: {  	_ =	shalt  }
0x46: {  	_ =	shalt  }
0x47: {  	_ =	shalt  }
0x48: {  	_ =	shalt  }
0x49: {  	_ =	shalt  }
0x4a: {  	_ =	shalt  }
0x4b: {  	_ =	shalt  }
0x4c: {  	_ =	shalt  }
0x4d: {  	_ =	shalt  }
0x4e: {  	_ =	shalt  }
0x4f: {  	_ =	shalt  }
0x50: {  	_ =	shalt  }
0x51: {  	_ =	shalt  }
0x52: {  	_ =	shalt  }
0x53: {  	_ =	shalt  }
0x54: {  	_ =	shalt  }
0x55: {  	_ =	shalt  }
0x56: {  	_ =	shalt  }
0x57: {  	_ =	shalt  }
0x58: {  	_ =	shalt  }
0x59: {  	_ =	shalt  }
0x5a: {  	_ =	shalt  }
0x5b: {  	_ =	shalt  }
0x5c: {  	_ =	shalt  }
0x5d: {  	_ =	shalt  }
0x5e: {  	_ =	shalt  }
0x5f: {  	_ =	shalt  }
0x60: {  	_ =	shalt  }
0x61: {  	_ =	shalt  }
0x62: {  	_ =	shalt  }
0x63: {  	_ =	shalt  }
0x64: {  	_ =	shalt  }
0x65: {  	_ =	shalt  }
0x66: {  	_ =	shalt  }
0x67: {  	_ =	shalt  }
0x68: {  	_ =	shalt  }
0x69: {  	_ =	shalt  }
0x6a: {  	_ =	shalt  }
0x6b: {  	_ =	shalt  }
0x6c: {  	_ =	shalt  }
0x6d: {  	_ =	shalt  }
0x6e: {  	_ =	shalt  }
0x6f: {  	_ =	shalt  }
0x70: {  	_ =	shalt  }
0x71: {  	_ =	shalt  }
0x72: {  	_ =	shalt  }
0x73: {  	_ =	shalt  }
0x74: {  	_ =	shalt  }
0x75: {  	_ =	shalt  }
0x76: {  	_ =	shalt  }
0x77: {  	_ =	shalt  }
0x78: {  	_ =	shalt  }
0x79: {  	_ =	shalt  }
0x7a: {  	_ =	shalt  }
0x7b: {  	_ =	shalt  }
0x7c: {  	_ =	shalt  }
0x7d: {  	_ =	shalt  }
0x7e: {  	_ =	shalt  }
0x7f: {  	_ =	shalt  }
0x80: {  	_ =	shalt  }
0x81: {  	_ =	shalt  }
0x82: {  	_ =	shalt  }
0x83: {  	_ =	shalt  }
0x84: {  	_ =	shalt  }
0x85: {  	_ =	shalt  }
0x86: {  	_ =	shalt  }
0x87: {  	_ =	shalt  }
.Lfunc_end0:
.L_simem_size_0:
called_computation.1_lowered:
.L_overlay_start_0:
0x88: {  	s2 =	sld [smem:$0x3FD9]  }
0x89: {  	s3 =	sld [smem:$0x3FFE];
	_ =	sdelay $0x1  }
0x8a: {  	s1 =	srdreg.scid  }
0x8b: {  	s0 =	sand.u32 $0x1, s1  }
0x8c: {  	s16 =	sshll.u32 s0, $0xA;
	s2 =	sadd.s32 s3, s2  }
0x8d: {  	s2 =	sadd.s32 s2, s16  }
0x8e: {  	[smem:$0x3FC2] =	sst s2  }
0x8f: {  	_ = 	snop  }
0x90: {  	(tm) =	ssettm $0x1  }
0x91: {  	s17 =	sld [smem:$0x3FFB];
	_ =	sdelay $0x3  }
0x92: {  	_ =	strace s17  }
0x93: {  	s2 =	sld [smem:$0x3FFC];
	_ =	sdelay $0x3  }
0x94: {  	_ =	strace s2  }
0x95: {  	s2 =	sld [smem:$0x3FFD];
	_ =	sdelay $0x3  }
0x96: {  	_ =	strace s2  }
0x97: {  	_ =	strace $0x8FFFFFFF  }
0x98: {  	s18 =	sld [smem:$0x3FDB];
	_ =	sdelay $0x1  }
0x99: {  	s19 =	simm.s32 $_scs_section_size  }
0x9a: {  	s4 =	simm.s32 $_size__tile_overlayer_lowered;
	s5 =	simm.s32 $_tile_overlayer_lowered  }
0x9b: {  	s22 =	simm.s32 $0x1BFF;
	s21 =	sshll.u32 s5, $0x1;
	s2 =	sadd.s32 s19, s18  }
0x9c: {  	s6 =	simm.s32 $0x0;
	s20 =	sshll.u32 s4, $0x1;
	s4 =	sadd.s32 s21, s2  }
0x9d: {  	[timem:s6], [sflag:s22] =	dma.local [hbm:s4], s20  }
0x9e: {  	_ =	swait.ge [sflag:s22], s20  }
0x9f: {  	s3 =	ssub.s32 $0x0, s20;
	[sflag:s22] =	ssyncset.done $0x0  }
0xa0: {  	[sflag:s22] =	ssyncadd.s32 s3;
	_ =	sdelay $0x1  }
0xa1: {  	s23 =	simm.s32 $0x1B8B  }
0xa2: {  	_ =	swait.ge [sflag:s23], $0x1  }
0xa3: {  	[sflag:s23] =	ssyncset.done $0x0  }
0xa4: {  	s25 =	simm.s32 $0x1B8E;
	s24 =	sld [smem:$0x3FFE];
	[sflag:s23] =	ssyncadd.s32 $0xFFFFFFFF  }
0xa5: {  	s26 =	simm.s32 $execute0_lowered;
	[smem:$0x3FD2] =	sst s25  }
0xa6: {  	s4 =	sshll.u32 s26, $0x1;
	_ =	strace $0x80000049;
	[dreg:$0x1] =	wrdreg $0xFFFFFFFF  }
0xa7: {  	s28 =	simm.s32 $_size_execute0_lowered;
	s2 =	sadd.s32 s2, s4;
	[dreg:$0x0] =	wrdreg $0x0  }
0xa8: {  	s4 =	sshll.u32 s28, $0x1;
	[dreg:$0x2] =	wrdreg s2  }
0xa9: {  	[dreg:$0x3] =	wrdreg s4  }
0xaa: {  	[dreg:$0x4] =	wrdreg $0xC0  }
0xab: {  	_ =	task [dreg:s6], $0x5FFFF  }
0xac: {  	[dreg:$0x1] =	wrdreg $0xFFFFFFFF  }
0xad: {  	[dreg:$0x0] =	wrdreg $0x60  }
0xae: {  	[dreg:$0x2] =	wrdreg s24  }
0xaf: {  	[dreg:$0x3] =	wrdreg $0x160800  }
0xb0: {  	[dreg:$0x4] =	wrdreg $0x188800  }
0xb1: {  	[dreg:$0x5] =	wrdreg $0x9  }
0xb2: {  	_ =	task.clear_ibuf [dreg:s6], $0x6FFFF;
	_ =	strace $0x90000049  }
0xb3: {  	s29 =	simm.s32 $0x9;
	_ =	strace $0x8000004B  }
0xb4: {  	_ =	swait.ge [sflag:s29], $0x1  }
0xb5: {  	[sflag:s29] =	ssyncadd.s32 $0xFFFFFFFF  }
0xb6: {  	_ =	strace $0x9000004B  }
0xb7: {  	_ =	sfence  }
0xb8: {  	s30 =	sld [smem:$0x0];
	_ =	sdelay $0x2  }
0xb9: {  	s31 =	sshll.u32 s1, $0xD;
	s1 =	sshrl.u32 s1, $0x2  }
0xba: {  	s3 =	sand.u32 $0x4000, s31;
	s1 =	sadd.s32 s1, s30  }
0xbb: {  	s0 =	sor.u32 s3, s0;
	s1 =	sshll.u32 s1, $0x11  }
0xbc: {  	s0 =	sor.u32 s1, s0  }
0xbd: {  	s0 =	sadd.s32 $0x8F2B, s0  }
0xbe: {  	[sflag:s0] =	ssyncadd.remote.s32 $0x1  }
0xbf: {  	_ =	sfence.sel $0xFFFF  }
0xc0: {  	[dreg:$0x0] =	wrdreg $0xFFFFFFFF;
	(pc) =	sbr.abs _section_cstart, $3  }
0xc1: {  	[dreg:$0x1] =	wrdreg $0xFFFFFFFF  }
0xc2: {  	_ =	task.clear_ibuf [dreg:s6], $0x2FFFF;
	_ =	strace $0x9FFFFFFF  }
0xc3: {  	(tm) =	ssettm $0x7FFFFFFF  }
tec
execute0_lowered:
.L_overlay_start_1:
0x0: {  	(tag) =	ssettag $0x1  }
0x1: {  	s5 =	rddreg [dreg:$0x0]  }
0x2: {  	s2 =	rddreg [dreg:$0x1]  }
0x3: {  	s3 =	rddreg [dreg:$0x2];
	s4 =	srdreg.scid  }
0x4: {  	s0 =	rddreg [dreg:$0x3];
	s1 =	stileid.u32;
	s16 =	simm.s32 $0x7D  }
0x5: {  	s17 =	simm.s32 $0x1;
	s18 =	simm.s32 $0x2;
	s19 =	simm.s32 $0x0  }
0x6: {  	s6 =	sand.u32 $0x1, s4;
	s4 =	simm.s32 $0x0;
	s7 =	smul.u32 $0x2800, s1  }
0x7: {  	s31 =	sshll.u32 s1, $0x6;
	s8 =	sshll.u32 s6, $0x4;
	[smem:$0x7FF] =	sst s4  }
0x8: {  	s9 =	smul.u32 $0x28000, s6;
	s6 =	ssub.s32 $0x2, s6;
	s8 =	sor.u32 s1, s8  }
0x9: {  	_ =	strace $0x8000004A;
	s10 =	sshrl.u32 s7, $0x3;
	s11 =	sshrl.u32 s6, $0x1  }
0xa: {  	s14 =	sadd.s32 s7, s2;
	s15 =	sadd.s32 s7, s3;
	s8 =	smul.u32 $0x1400, s8  }
0xb: {  	s10 =	sadd.s32 s10, s5;
	s9 =	sadd.s32 s7, s9;
	s11 =	ssub.s32 s6, s11  }
0xc: {  	s6 =	sor.u32 $0x1C03, s31;
	s9 =	sshrl.u32 s9, $0x3;
	s7 =	sadd.s32 $0x11600, s10  }
0xd: {  	s11 =	smax.u32 s11, $0x1;
	s8 =	sshrl.u32 s8, $0x3;
	s13 =	sadd.s32 s9, s5  }
0xe: {  	s12 =	sadd.s32 s8, s5;
	s5 =	sadd.s32 $0xC600, s10;
	s10 =	sadd.s32 $0x16600, s13  }
0xf: {  	s13 =	simm.s32 $0x3;
	s8 =	sadd.s32 $0x2600, s12;
	s9 =	sadd.s32 $0x7600, s12  }
0x10: {  	s12 =	sshrl.u32 s14, $0x3;
	s14 =	sshrl.u32 s15, $0x3;
	s15 =	simm.s32 $0x1400  }
.LBB2_1:
0x11: {  	[spmem:s12], [sflag:s6] =	dma.local [hbm:s5], $0x500  }
0x12: {  	_ =	swait.ge [sflag:s13], $0x500  }
0x13: {  	[sflag:s13] =	ssyncset.done $0x0  }
0x14: {  	[sflag:s13] =	ssyncadd.s32 $0xFFFFFB00  }
0x15: {  	[spmem:s14], [sflag:s6] =	dma.local [hbm:s7], $0x500  }
0x16: {  	_ =	swait.ge [sflag:s13], $0x500  }
0x17: {  	[sflag:s13] =	ssyncset.done $0x0  }
0x18: {  	[sflag:s13] =	ssyncadd.s32 $0xFFFFFB00  }
0x19: {  	[tilespmem:s4], [sflag:$0x3] =	stream.linear.gather [hbm4b:s8+s4], $0x1400, $0x38;
	[tilespmem:$0x1B080] =	vst v63  }
0x1a: {  	_ =	swait.ge [sflag:s13], $0x1400  }
0x1b: {  	[sflag:s13] =	ssyncset.done $0x0  }
0x1c: {  	[sflag:s13] =	ssyncadd.s32 $0xFFFFEC00  }
0x1d: {  	[tilespmem:s15], [sflag:$0x3] =	stream.linear.gather [hbm4b:s9+s4], $0x1400, $0x38;
	[tilespmem:$0x1B080] =	vst v63  }
0x1e: {  	_ =	swait.ge [sflag:s13], $0x1400  }
0x1f: {  	[sflag:s13] =	ssyncset.done $0x0  }
0x20: {  	[sflag:s13] =	ssyncadd.s32 $0xFFFFEC00  }
0x21: {  	s20 =	simm.s32 $0x2800;
	s21 =	simm.s32 $0x0;
	[bflag:$0x0] =	sbarrier.arrive $0xFFFF  }
.LBB2_2:
0x22: {  	p0 =	sne.s32 s21, $0x4E00  }
.Ltmp0:
0x23: {  	_ = 	snop;
	(pc) =	sbr.rel @p0 .LBB2_2-.Ltmp0, $4  }
0x24: {  	_ = 	snop  }
0x25: {  	s22 =	sshra.s32 s21, $0x2  }
0x26: {  	[tilespmem:s20], [sflag:$0x1] =	stream.indirect.gather [spmem:s3], $0x10, s22, s16, $0xb8;
	[tilespmem:$0x1B080] =	vst v63  }
0x27: {  	s21 =	sadd.s32 $0x200, s21;
	s20 =	sadd.s32 $0x7D0, s20  }
0x28: {  	s20 =	simm.s32 $0x28  }
.LBB2_4:
0x29: {  	p0 =	sne.s32 s20, $0x1  }
.Ltmp1:
0x2a: {  	_ = 	snop;
	(pc) =	sbr.rel @p0 .LBB2_4-.Ltmp1, $4  }
0x2b: {  	_ = 	snop  }
0x2c: {  	_ =	swait.ge [sflag:s17], $0x7D0  }
0x2d: {  	[sflag:s17] =	ssyncset.done $0x0  }
0x2e: {  	s20 =	sadd.s32 $0xFFFFFFFF, s20;
	[sflag:s17] =	ssyncadd.s32 $0xFFFFF830  }
0x2f: {  	s20 =	simm.s32 $0x0;
	s21 =	simm.s32 $0x2800  }
.LBB2_6:
0x30: {  	p0 =	sne.s32 s20, $0x4E00  }
.Ltmp2:
0x31: {  	_ = 	snop;
	(pc) =	sbr.rel @p0 .LBB2_6-.Ltmp2, $4  }
0x32: {  	s22 =	sshra.s32 s20, $0x2  }
0x33: {  	s22 =	sadd.s32 $0x1400, s22  }
0x34: {  	[spmem:s2] =	stream.indirect.scatter.add.f32 [tilespmem:s21], [sflag:$0x2], $0x10, s22, s16, $0xb8;
	[tilespmem:$0x1B080] =	vst v63  }
0x35: {  	s20 =	sadd.s32 $0x200, s20;
	s21 =	sadd.s32 $0x7D0, s21  }
0x36: {  	_ =	swait.ge [sflag:s18], $0x7D0  }
0x37: {  	s20 =	simm.s32 $0x27;
	[sflag:s18] =	ssyncset.done $0x0  }
.LBB2_8:
0x38: {  	p0 =	sne.s32 s20, $0x1;
	s20 =	sadd.s32 $0xFFFFFFFF, s20;
	[sflag:s18] =	ssyncadd.s32 $0xFFFFF830  }
.Ltmp3:
0x39: {  	(pc) =	sbr.rel @p0 .LBB2_8-.Ltmp3, $3  }
0x3a: {  	_ =	sdelay $0x1  }
0x3b: {  	_ =	swait.ge [sflag:s18], $0x7D0  }
0x3c: {  	[sflag:s18] =	ssyncset.done $0x0  }
0x3d: {  	s19 =	sadd.s32 $0x1, s19  }
0x3e: {  	[sflag:s18] =	ssyncadd.s32 $0xFFFFF830;
	p0 =	sne.s32 s19, s11  }
.Ltmp4:
0x3f: {  	[bflag:$0x0] =	sbarrier.arrive $0xFFFF;
	(pc) =	sbr.rel @p0 .LBB2_1-.Ltmp4, $4  }
0x40: {  	[hbm:s10], [sflag:s6] =	dma.local [spmem:s12], $0x500  }
0x41: {  	_ =	swait.ge [sflag:s13], $0x500  }
0x42: {  	[sflag:s13] =	ssyncset.done $0x0  }
0x43: {  	[sflag:s13] =	ssyncadd.s32 $0xFFFFFB00  }
0x44: {  	_ =	sfence.sel $0x180000  }
0x45: {  	[bflag:$0x0] =	sbarrier.arrive $0xFFFF  }
0x46: {  	p0 =	sne.s32 s1, $0x0;
	_ =	strace $0x9000004A  }
0x47: {  	s0 =	sadd.s32 @!p0 $0x100000, s0;
	[bflag:$0x2] =	sbarrier.arrive $0xFFFF  }
0x48: {  	[sflag:s0] =	ssyncadd.tile.s32 @!p0 $0x1;
	_ =	shalt  }
.Lfunc_end2:
_tile_overlayer_lowered:
.L_overlay_start_2:
0x49: {  	(tag) =	ssettag $0x2  }
0x4a: {  	s0 =	rddreg [dreg:$0x0];
	s2 =	stileid.u32  }
0x4b: {  	s1 =	rddreg [dreg:$0x1];
	p0 =	sne.s32 s2, $0x0  }
0x4c: {  	s3 =	rddreg [dreg:$0x2];
	[bflag:$0x3] =	sbarrier.arrive $0xFFFF;
	s2 =	simm.s32 @!p0 $0x1C03  }
0x4d: {  	[timem:s3], [sflag:s2] =	dma.local @!p0 [hbm:s0], s1  }
0x4e: {  	s0 =	simm.s32 @!p0 $0x3  }
0x4f: {  	_ =	swait.ge @!p0 [sflag:s0], s1  }
0x50: {  	s1 =	ssub.s32 @!p0 $0x0, s1;
	[sflag:s0] =	ssyncset.done @!p0 $0x0  }
0x51: {  	[sflag:s0] =	ssyncadd.s32 @!p0 s1  }
0x52: {  	[bflag:$0x3] =	sbarrier.arrive $0xFFFF  }
0x53: {  	_ =	shalt  }

// kernel: kernel.15.cloned.1.call-start
scs
__scs_entry_jumppad:
0x0: {  	(pc) =	sbr.rel $0x88, $3  }
0x1: {  	(tag) =	ssettag $0x0;
	lr =	simm.s32 $0x1  }
0x2: {  	[smem:$0x3F9B] =	sst lr;
	_ =	strace $0xD0000000  }
0x3: {  	_ = 	snop  }
0x4: {  	_ = 	snop  }
0x5: {  	_ = 	snop  }
0x6: {  	_ = 	snop  }
0x7: {  	_ = 	snop  }
__scs_overlays_trampoline_lowered:
0x8: {  	[smem:$0x3FAA] =	sst s0  }
0x9: {  	[smem:$0x3FAB] =	sst s1  }
0xa: {  	[smem:$0x3FAC] =	sst s2  }
0xb: {  	[smem:$0x3FAD] =	sst s3  }
0xc: {  	[smem:$0x3FAE] =	sst s4  }
0xd: {  	[smem:$0x3FAF] =	sst s5  }
0xe: {  	[smem:$0x3FB0] =	sst s6  }
0xf: {  	[smem:$0x3FB1] =	sst s7  }
0x10: {  	[smem:$0x3FB2] =	sst s8  }
0x11: {  	[smem:$0x3FB3] =	sst s9;
	s0 =	simm.s32 @!p0 $0x0  }
0x12: {  	s1 =	sld [smem:$0x3F99];
	s0 =	simm.s32 @p0 $0x1  }
0x13: {  	[smem:$0x3FB4] =	sst s0;
	s0 =	simm.s32 @!p1 $0x0  }
0x14: {  	s2 =	sld [smem:$0x3F98];
	s0 =	simm.s32 @p1 $0x1  }
0x15: {  	[smem:$0x3FB5] =	sst s0;
	s0 =	simm.s32 @!p2 $0x0  }
0x16: {  	s3 =	sld [smem:$0x3FDB];
	s0 =	simm.s32 @p2 $0x1  }
0x17: {  	s4 =	simm.s32 $0x1BF5;
	[smem:$0x3FB7] =	sst s0  }
0x18: {  	s0 =	sld [smem:$0x3F9A];
	_ =	swait.ge [sflag:s4], $0x0  }
0x19: {  	s7 =	sld [smem:$0x3F9B]  }
0x1a: {  	s8 =	sadd.s32 $0xFFFFE003, lr  }
0x1b: {  	s9 =	sadd.s32 $0xFFFFFEF7, lr;
	s5 =	simm.s32 $0xFFFFFFFF;
	p2 =	slt.u32 s8, $0xFFFFF086  }
0x1c: {  	p1 =	slt.u32 s9, $0xF7A;
	s5 =	simm.s32 @!p2 $0x0  }
0x1d: {  	s5 =	simm.s32 @p1 $0x1;
	p0 =	seq.s32 s7, s2  }
0x1e: {  	s7 =	smul.u32 @!p0 $0xF7A, s2;
	p2 =	seq.s32 @!p0 s5, $0x0  }
0x1f: {  	s9 =	smul.u32 $0xF7A, s1;
	s8 =	simm.s32 @!p0 $0x1BF5;
	p2 =	por !p2, p0  }
0x20: {  	[sflag:s8] =	ssyncset.s32 @!p0 $0xFFFFF086;
	s6 =	sadd.s32 @!p0 s3, s7;
	s7 =	simm.s32 @!p0 $0x108  }
0x21: {  	s3 =	sadd.s32 s3, s9;
	s6 =	sadd.s32 @!p0 $0x88, s6;
	s7 =	simm.s32 @p2 $0x1082  }
0x22: {  	[simem:s7], [sflag:s8] =	dma.local @!p0 [hbm:s6], $0xF7A  }
0x23: {  	s9 =	sor.u32 $0xD0000000, s2;
	s6 =	simm.s32 $0x108;
	_ =	swait.ge @!p0 [sflag:s8], $0x0  }
0x24: {  	s3 =	sadd.s32 $0x88, s3;
	s6 =	simm.s32 @!p1 $0x1082;
	[sflag:s4] =	ssyncset.s32 $0xFFFFF086  }
0x25: {  	[simem:s6], [sflag:s4] =	dma.local [hbm:s3], $0xF7A  }
0x26: {  	[smem:$0x3F9B] =	sst s1;
	(tag) =	ssettag s2;
	_ =	strace s9  }
0x27: {  	s1 =	sld [smem:$0x3FAB]  }
0x28: {  	s2 =	sld [smem:$0x3FAC]  }
0x29: {  	s4 =	sld [smem:$0x3FAE]  }
0x2a: {  	p0 =	seq.s32 s5, $0x0;
	s5 =	sld [smem:$0x3FAF]  }
0x2b: {  	s6 =	sld [smem:$0x3FB0]  }
0x2c: {  	s7 =	sld [smem:$0x3FB1]  }
0x2d: {  	s3 =	simm.s32 $0x108;
	s8 =	sld [smem:$0x3FB2]  }
0x2e: {  	s3 =	simm.s32 @!p0 $0x1082;
	s9 =	sld [smem:$0x3FB3]  }
0x2f: {  	lr =	sadd.s32 s0, s3;
	s0 =	sld [smem:$0x3FAA]  }
0x30: {  	s3 =	sld [smem:$0x3FAD]  }
0x31: {  	[smem:$0x3FB6] =	sst s10  }
0x32: {  	s10 =	sld [smem:$0x3FB4];
	_ =	sdelay $0x3  }
0x33: {  	p0 =	seq.s32 s10, $0x1;
	s10 =	sld [smem:$0x3FB6];
	_ =	sdelay $0x3  }
0x34: {  	[smem:$0x3FB6] =	sst s10  }
0x35: {  	s10 =	sld [smem:$0x3FB5];
	_ =	sdelay $0x3  }
0x36: {  	p1 =	seq.s32 s10, $0x1;
	s10 =	sld [smem:$0x3FB6];
	_ =	sdelay $0x3  }
0x37: {  	[smem:$0x3FB6] =	sst s10  }
0x38: {  	s10 =	sld [smem:$0x3FB7]  }
0x39: {  	_ = 	snop;
	(pc) =	sbr.ind lr, $3  }
0x3a: {  	_ = 	snop  }
0x3b: {  	_ = 	snop  }
0x3c: {  	p2 =	seq.s32 s10, $0x1;
	s10 =	sld [smem:$0x3FB6]  }
0x3d: {  	_ =	shalt  }
0x3e: {  	_ =	shalt  }
0x3f: {  	_ =	shalt  }
0x40: {  	_ =	shalt  }
0x41: {  	_ =	shalt  }
0x42: {  	_ =	shalt  }
0x43: {  	_ =	shalt  }
0x44: {  	_ =	shalt  }
0x45: {  	_ =	shalt  }
0x46: {  	_ =	shalt  }
0x47: {  	_ =	shalt  }
0x48: {  	_ =	shalt  }
0x49: {  	_ =	shalt  }
0x4a: {  	_ =	shalt  }
0x4b: {  	_ =	shalt  }
0x4c: {  	_ =	shalt  }
0x4d: {  	_ =	shalt  }
0x4e: {  	_ =	shalt  }
0x4f: {  	_ =	shalt  }
0x50: {  	_ =	shalt  }
0x51: {  	_ =	shalt  }
0x52: {  	_ =	shalt  }
0x53: {  	_ =	shalt  }
0x54: {  	_ =	shalt  }
0x55: {  	_ =	shalt  }
0x56: {  	_ =	shalt  }
0x57: {  	_ =	shalt  }
0x58: {  	_ =	shalt  }
0x59: {  	_ =	shalt  }
0x5a: {  	_ =	shalt  }
0x5b: {  	_ =	shalt  }
0x5c: {  	_ =	shalt  }
0x5d: {  	_ =	shalt  }
0x5e: {  	_ =	shalt  }
0x5f: {  	_ =	shalt  }
0x60: {  	_ =	shalt  }
0x61: {  	_ =	shalt  }
0x62: {  	_ =	shalt  }
0x63: {  	_ =	shalt  }
0x64: {  	_ =	shalt  }
0x65: {  	_ =	shalt  }
0x66: {  	_ =	shalt  }
0x67: {  	_ =	shalt  }
0x68: {  	_ =	shalt  }
0x69: {  	_ =	shalt  }
0x6a: {  	_ =	shalt  }
0x6b: {  	_ =	shalt  }
0x6c: {  	_ =	shalt  }
0x6d: {  	_ =	shalt  }
0x6e: {  	_ =	shalt  }
0x6f: {  	_ =	shalt  }
0x70: {  	_ =	shalt  }
0x71: {  	_ =	shalt  }
0x72: {  	_ =	shalt  }
0x73: {  	_ =	shalt  }
0x74: {  	_ =	shalt  }
0x75: {  	_ =	shalt  }
0x76: {  	_ =	shalt  }
0x77: {  	_ =	shalt  }
0x78: {  	_ =	shalt  }
0x79: {  	_ =	shalt  }
0x7a: {  	_ =	shalt  }
0x7b: {  	_ =	shalt  }
0x7c: {  	_ =	shalt  }
0x7d: {  	_ =	shalt  }
0x7e: {  	_ =	shalt  }
0x7f: {  	_ =	shalt  }
0x80: {  	_ =	shalt  }
0x81: {  	_ =	shalt  }
0x82: {  	_ =	shalt  }
0x83: {  	_ =	shalt  }
0x84: {  	_ =	shalt  }
0x85: {  	_ =	shalt  }
0x86: {  	_ =	shalt  }
0x87: {  	_ =	shalt  }
.Lfunc_end0:
.L_simem_size_0:
called_computation.2_lowered:
.L_overlay_start_0:
0x88: {  	s2 =	sld [smem:$0x3FD9]  }
0x89: {  	s3 =	sld [smem:$0x3FFE];
	_ =	sdelay $0x1  }
0x8a: {  	s1 =	srdreg.scid  }
0x8b: {  	s0 =	sand.u32 $0x1, s1  }
0x8c: {  	s16 =	sshll.u32 s0, $0xA;
	s2 =	sadd.s32 s3, s2  }
0x8d: {  	s2 =	sadd.s32 s2, s16  }
0x8e: {  	[smem:$0x3FC2] =	sst s2  }
0x8f: {  	_ = 	snop  }
0x90: {  	(tm) =	ssettm $0x1  }
0x91: {  	s17 =	sld [smem:$0x3FFB];
	_ =	sdelay $0x3  }
0x92: {  	_ =	strace s17  }
0x93: {  	s2 =	sld [smem:$0x3FFC];
	_ =	sdelay $0x3  }
0x94: {  	_ =	strace s2  }
0x95: {  	s2 =	sld [smem:$0x3FFD];
	_ =	sdelay $0x3  }
0x96: {  	_ =	strace s2  }
0x97: {  	_ =	strace $0x8FFFFFFF  }
0x98: {  	s18 =	sld [smem:$0x3FDB];
	_ =	sdelay $0x1  }
0x99: {  	s19 =	simm.s32 $_scs_section_size  }
0x9a: {  	s4 =	simm.s32 $_size__tile_overlayer_lowered;
	s5 =	simm.s32 $_tile_overlayer_lowered  }
0x9b: {  	s22 =	simm.s32 $0x1BFF;
	s21 =	sshll.u32 s5, $0x1;
	s2 =	sadd.s32 s19, s18  }
0x9c: {  	s6 =	simm.s32 $0x0;
	s20 =	sshll.u32 s4, $0x1;
	s4 =	sadd.s32 s21, s2  }
0x9d: {  	[timem:s6], [sflag:s22] =	dma.local [hbm:s4], s20  }
0x9e: {  	_ =	swait.ge [sflag:s22], s20  }
0x9f: {  	s3 =	ssub.s32 $0x0, s20;
	[sflag:s22] =	ssyncset.done $0x0  }
0xa0: {  	[sflag:s22] =	ssyncadd.s32 s3;
	_ =	sdelay $0x1  }
0xa1: {  	s23 =	simm.s32 $0x1B8B  }
0xa2: {  	_ =	swait.ge [sflag:s23], $0x1  }
0xa3: {  	[sflag:s23] =	ssyncset.done $0x0  }
0xa4: {  	s25 =	simm.s32 $0x1B8E;
	s24 =	sld [smem:$0x3FFE];
	[sflag:s23] =	ssyncadd.s32 $0xFFFFFFFF  }
0xa5: {  	s26 =	simm.s32 $execute0_lowered;
	[smem:$0x3FD2] =	sst s25  }
0xa6: {  	s4 =	sshll.u32 s26, $0x1;
	_ =	strace $0x8000004C;
	[dreg:$0x1] =	wrdreg $0xFFFFFFFF  }
0xa7: {  	s28 =	simm.s32 $_size_execute0_lowered;
	s2 =	sadd.s32 s2, s4;
	[dreg:$0x0] =	wrdreg $0x0  }
0xa8: {  	s4 =	sshll.u32 s28, $0x1;
	[dreg:$0x2] =	wrdreg s2  }
0xa9: {  	[dreg:$0x3] =	wrdreg s4  }
0xaa: {  	[dreg:$0x4] =	wrdreg $0xC0  }
0xab: {  	_ =	task [dreg:s6], $0x5FFFF  }
0xac: {  	[dreg:$0x1] =	wrdreg $0xFFFFFFFF  }
0xad: {  	[dreg:$0x0] =	wrdreg $0x60  }
0xae: {  	[dreg:$0x2] =	wrdreg s24  }
0xaf: {  	[dreg:$0x3] =	wrdreg $0x160800  }
0xb0: {  	[dreg:$0x4] =	wrdreg $0x188800  }
0xb1: {  	[dreg:$0x5] =	wrdreg $0x9  }
0xb2: {  	_ =	task.clear_ibuf [dreg:s6], $0x6FFFF;
	_ =	strace $0x9000004C  }
0xb3: {  	s29 =	simm.s32 $0x9;
	_ =	strace $0x8000004E  }
0xb4: {  	_ =	swait.ge [sflag:s29], $0x1  }
0xb5: {  	[sflag:s29] =	ssyncadd.s32 $0xFFFFFFFF  }
0xb6: {  	_ =	strace $0x9000004E  }
0xb7: {  	_ =	sfence  }
0xb8: {  	s30 =	sld [smem:$0x0];
	_ =	sdelay $0x2  }
0xb9: {  	s31 =	sshll.u32 s1, $0xD;
	s1 =	sshrl.u32 s1, $0x2  }
0xba: {  	s3 =	sand.u32 $0x4000, s31;
	s1 =	sadd.s32 s1, s30  }
0xbb: {  	s0 =	sor.u32 s3, s0;
	s1 =	sshll.u32 s1, $0x11  }
0xbc: {  	s0 =	sor.u32 s1, s0  }
0xbd: {  	s0 =	sadd.s32 $0x8F2B, s0  }
0xbe: {  	[sflag:s0] =	ssyncadd.remote.s32 $0x1  }
0xbf: {  	_ =	sfence.sel $0xFFFF  }
0xc0: {  	[dreg:$0x0] =	wrdreg $0xFFFFFFFF;
	(pc) =	sbr.abs _section_cstart, $3  }
0xc1: {  	[dreg:$0x1] =	wrdreg $0xFFFFFFFF  }
0xc2: {  	_ =	task.clear_ibuf [dreg:s6], $0x2FFFF;
	_ =	strace $0x9FFFFFFF  }
0xc3: {  	(tm) =	ssettm $0x7FFFFFFF  }
tec
execute0_lowered:
.L_overlay_start_1:
0x0: {  	(tag) =	ssettag $0x1  }
0x1: {  	s5 =	rddreg [dreg:$0x0]  }
0x2: {  	s2 =	rddreg [dreg:$0x1]  }
0x3: {  	s3 =	rddreg [dreg:$0x2];
	s4 =	srdreg.scid  }
0x4: {  	s0 =	rddreg [dreg:$0x3];
	s1 =	stileid.u32;
	s16 =	simm.s32 $0x7D  }
0x5: {  	s17 =	simm.s32 $0x1;
	s18 =	simm.s32 $0x2;
	s19 =	simm.s32 $0x0  }
0x6: {  	s6 =	sand.u32 $0x1, s4;
	s4 =	simm.s32 $0x0;
	s7 =	smul.u32 $0x2800, s1  }
0x7: {  	s31 =	sshll.u32 s1, $0x6;
	s8 =	sshll.u32 s6, $0x4;
	[smem:$0x7FF] =	sst s4  }
0x8: {  	s9 =	smul.u32 $0x28000, s6;
	s6 =	ssub.s32 $0x2, s6;
	s8 =	sor.u32 s1, s8  }
0x9: {  	_ =	strace $0x8000004D;
	s10 =	sshrl.u32 s7, $0x3;
	s11 =	sshrl.u32 s6, $0x1  }
0xa: {  	s14 =	sadd.s32 s7, s2;
	s15 =	sadd.s32 s7, s3;
	s8 =	smul.u32 $0x1400, s8  }
0xb: {  	s10 =	sadd.s32 s10, s5;
	s9 =	sadd.s32 s7, s9;
	s11 =	ssub.s32 s6, s11  }
0xc: {  	s6 =	sor.u32 $0x1C03, s31;
	s9 =	sshrl.u32 s9, $0x3;
	s7 =	sadd.s32 $0x11600, s10  }
0xd: {  	s11 =	smax.u32 s11, $0x1;
	s8 =	sshrl.u32 s8, $0x3;
	s13 =	sadd.s32 s9, s5  }
0xe: {  	s12 =	sadd.s32 s8, s5;
	s5 =	sadd.s32 $0xC600, s10;
	s10 =	sadd.s32 $0x16600, s13  }
0xf: {  	s13 =	simm.s32 $0x3;
	s8 =	sadd.s32 $0x2600, s12;
	s9 =	sadd.s32 $0x7600, s12  }
0x10: {  	s12 =	sshrl.u32 s14, $0x3;
	s14 =	sshrl.u32 s15, $0x3;
	s15 =	simm.s32 $0x1400  }
.LBB2_1:
0x11: {  	[spmem:s12], [sflag:s6] =	dma.local [hbm:s5], $0x500  }
0x12: {  	_ =	swait.ge [sflag:s13], $0x500  }
0x13: {  	[sflag:s13] =	ssyncset.done $0x0  }
0x14: {  	[sflag:s13] =	ssyncadd.s32 $0xFFFFFB00  }
0x15: {  	[spmem:s14], [sflag:s6] =	dma.local [hbm:s7], $0x500  }
0x16: {  	_ =	swait.ge [sflag:s13], $0x500  }
0x17: {  	[sflag:s13] =	ssyncset.done $0x0  }
0x18: {  	[sflag:s13] =	ssyncadd.s32 $0xFFFFFB00  }
0x19: {  	[tilespmem:s4], [sflag:$0x3] =	stream.linear.gather [hbm4b:s8+s4], $0x1400, $0x38;
	[tilespmem:$0x1B080] =	vst v63  }
0x1a: {  	_ =	swait.ge [sflag:s13], $0x1400  }
0x1b: {  	[sflag:s13] =	ssyncset.done $0x0  }
0x1c: {  	[sflag:s13] =	ssyncadd.s32 $0xFFFFEC00  }
0x1d: {  	[tilespmem:s15], [sflag:$0x3] =	stream.linear.gather [hbm4b:s9+s4], $0x1400, $0x38;
	[tilespmem:$0x1B080] =	vst v63  }
0x1e: {  	_ =	swait.ge [sflag:s13], $0x1400  }
0x1f: {  	[sflag:s13] =	ssyncset.done $0x0  }
0x20: {  	[sflag:s13] =	ssyncadd.s32 $0xFFFFEC00  }
0x21: {  	s20 =	simm.s32 $0x2800;
	s21 =	simm.s32 $0x0;
	[bflag:$0x0] =	sbarrier.arrive $0xFFFF  }
.LBB2_2:
0x22: {  	p0 =	sne.s32 s21, $0x4E00  }
.Ltmp0:
0x23: {  	_ = 	snop;
	(pc) =	sbr.rel @p0 .LBB2_2-.Ltmp0, $4  }
0x24: {  	_ = 	snop  }
0x25: {  	s22 =	sshra.s32 s21, $0x2  }
0x26: {  	[tilespmem:s20], [sflag:$0x1] =	stream.indirect.gather [spmem:s3], $0x10, s22, s16, $0xb8;
	[tilespmem:$0x1B080] =	vst v63  }
0x27: {  	s21 =	sadd.s32 $0x200, s21;
	s20 =	sadd.s32 $0x7D0, s20  }
0x28: {  	s20 =	simm.s32 $0x28  }
.LBB2_4:
0x29: {  	p0 =	sne.s32 s20, $0x1  }
.Ltmp1:
0x2a: {  	_ = 	snop;
	(pc) =	sbr.rel @p0 .LBB2_4-.Ltmp1, $4  }
0x2b: {  	_ = 	snop  }
0x2c: {  	_ =	swait.ge [sflag:s17], $0x7D0  }
0x2d: {  	[sflag:s17] =	ssyncset.done $0x0  }
0x2e: {  	s20 =	sadd.s32 $0xFFFFFFFF, s20;
	[sflag:s17] =	ssyncadd.s32 $0xFFFFF830  }
0x2f: {  	s20 =	simm.s32 $0x0;
	s21 =	simm.s32 $0x2800  }
.LBB2_6:
0x30: {  	p0 =	sne.s32 s20, $0x4E00  }
.Ltmp2:
0x31: {  	_ = 	snop;
	(pc) =	sbr.rel @p0 .LBB2_6-.Ltmp2, $4  }
0x32: {  	s22 =	sshra.s32 s20, $0x2  }
0x33: {  	s22 =	sadd.s32 $0x1400, s22  }
0x34: {  	[spmem:s2] =	stream.indirect.scatter.add.f32 [tilespmem:s21], [sflag:$0x2], $0x10, s22, s16, $0xb8;
	[tilespmem:$0x1B080] =	vst v63  }
0x35: {  	s20 =	sadd.s32 $0x200, s20;
	s21 =	sadd.s32 $0x7D0, s21  }
0x36: {  	_ =	swait.ge [sflag:s18], $0x7D0  }
0x37: {  	s20 =	simm.s32 $0x27;
	[sflag:s18] =	ssyncset.done $0x0  }
.LBB2_8:
0x38: {  	p0 =	sne.s32 s20, $0x1;
	s20 =	sadd.s32 $0xFFFFFFFF, s20;
	[sflag:s18] =	ssyncadd.s32 $0xFFFFF830  }
.Ltmp3:
0x39: {  	(pc) =	sbr.rel @p0 .LBB2_8-.Ltmp3, $3  }
0x3a: {  	_ =	sdelay $0x1  }
0x3b: {  	_ =	swait.ge [sflag:s18], $0x7D0  }
0x3c: {  	[sflag:s18] =	ssyncset.done $0x0  }
0x3d: {  	s19 =	sadd.s32 $0x1, s19  }
0x3e: {  	[sflag:s18] =	ssyncadd.s32 $0xFFFFF830;
	p0 =	sne.s32 s19, s11  }
.Ltmp4:
0x3f: {  	[bflag:$0x0] =	sbarrier.arrive $0xFFFF;
	(pc) =	sbr.rel @p0 .LBB2_1-.Ltmp4, $4  }
0x40: {  	[hbm:s10], [sflag:s6] =	dma.local [spmem:s12], $0x500  }
0x41: {  	_ =	swait.ge [sflag:s13], $0x500  }
0x42: {  	[sflag:s13] =	ssyncset.done $0x0  }
0x43: {  	[sflag:s13] =	ssyncadd.s32 $0xFFFFFB00  }
0x44: {  	_ =	sfence.sel $0x180000  }
0x45: {  	[bflag:$0x0] =	sbarrier.arrive $0xFFFF  }
0x46: {  	p0 =	sne.s32 s1, $0x0;
	_ =	strace $0x9000004D  }
0x47: {  	s0 =	sadd.s32 @!p0 $0x100000, s0;
	[bflag:$0x2] =	sbarrier.arrive $0xFFFF  }
0x48: {  	[sflag:s0] =	ssyncadd.tile.s32 @!p0 $0x1;
	_ =	shalt  }
.Lfunc_end2:
_tile_overlayer_lowered:
.L_overlay_start_2:
0x49: {  	(tag) =	ssettag $0x2  }
0x4a: {  	s0 =	rddreg [dreg:$0x0];
	s2 =	stileid.u32  }
0x4b: {  	s1 =	rddreg [dreg:$0x1];
	p0 =	sne.s32 s2, $0x0  }
0x4c: {  	s3 =	rddreg [dreg:$0x2];
	[bflag:$0x3] =	sbarrier.arrive $0xFFFF;
	s2 =	simm.s32 @!p0 $0x1C03  }
0x4d: {  	[timem:s3], [sflag:s2] =	dma.local @!p0 [hbm:s0], s1  }
0x4e: {  	s0 =	simm.s32 @!p0 $0x3  }
0x4f: {  	_ =	swait.ge @!p0 [sflag:s0], s1  }
0x50: {  	s1 =	ssub.s32 @!p0 $0x0, s1;
	[sflag:s0] =	ssyncset.done @!p0 $0x0  }
0x51: {  	[sflag:s0] =	ssyncadd.s32 @!p0 s1  }
0x52: {  	[bflag:$0x3] =	sbarrier.arrive $0xFFFF  }
0x53: {  	_ =	shalt  }

// kernel: kernel.9.cloned.1.call-start
scs
__scs_entry_jumppad:
0x0: {  	(pc) =	sbr.rel $0x88, $3  }
0x1: {  	(tag) =	ssettag $0x0;
	lr =	simm.s32 $0x1  }
0x2: {  	[smem:$0x3F9B] =	sst lr;
	_ =	strace $0xD0000000  }
0x3: {  	_ = 	snop  }
0x4: {  	_ = 	snop  }
0x5: {  	_ = 	snop  }
0x6: {  	_ = 	snop  }
0x7: {  	_ = 	snop  }
__scs_overlays_trampoline_lowered:
0x8: {  	[smem:$0x3FAA] =	sst s0  }
0x9: {  	[smem:$0x3FAB] =	sst s1  }
0xa: {  	[smem:$0x3FAC] =	sst s2  }
0xb: {  	[smem:$0x3FAD] =	sst s3  }
0xc: {  	[smem:$0x3FAE] =	sst s4  }
0xd: {  	[smem:$0x3FAF] =	sst s5  }
0xe: {  	[smem:$0x3FB0] =	sst s6  }
0xf: {  	[smem:$0x3FB1] =	sst s7  }
0x10: {  	[smem:$0x3FB2] =	sst s8  }
0x11: {  	[smem:$0x3FB3] =	sst s9;
	s0 =	simm.s32 @!p0 $0x0  }
0x12: {  	s1 =	sld [smem:$0x3F99];
	s0 =	simm.s32 @p0 $0x1  }
0x13: {  	[smem:$0x3FB4] =	sst s0;
	s0 =	simm.s32 @!p1 $0x0  }
0x14: {  	s2 =	sld [smem:$0x3F98];
	s0 =	simm.s32 @p1 $0x1  }
0x15: {  	[smem:$0x3FB5] =	sst s0;
	s0 =	simm.s32 @!p2 $0x0  }
0x16: {  	s3 =	sld [smem:$0x3FDB];
	s0 =	simm.s32 @p2 $0x1  }
0x17: {  	s4 =	simm.s32 $0x1BF5;
	[smem:$0x3FB7] =	sst s0  }
0x18: {  	s0 =	sld [smem:$0x3F9A];
	_ =	swait.ge [sflag:s4], $0x0  }
0x19: {  	s7 =	sld [smem:$0x3F9B]  }
0x1a: {  	s8 =	sadd.s32 $0xFFFFE003, lr  }
0x1b: {  	s9 =	sadd.s32 $0xFFFFFEF7, lr;
	s5 =	simm.s32 $0xFFFFFFFF;
	p2 =	slt.u32 s8, $0xFFFFF086  }
0x1c: {  	p1 =	slt.u32 s9, $0xF7A;
	s5 =	simm.s32 @!p2 $0x0  }
0x1d: {  	s5 =	simm.s32 @p1 $0x1;
	p0 =	seq.s32 s7, s2  }
0x1e: {  	s7 =	smul.u32 @!p0 $0xF7A, s2;
	p2 =	seq.s32 @!p0 s5, $0x0  }
0x1f: {  	s9 =	smul.u32 $0xF7A, s1;
	s8 =	simm.s32 @!p0 $0x1BF5;
	p2 =	por !p2, p0  }
0x20: {  	[sflag:s8] =	ssyncset.s32 @!p0 $0xFFFFF086;
	s6 =	sadd.s32 @!p0 s3, s7;
	s7 =	simm.s32 @!p0 $0x108  }
0x21: {  	s3 =	sadd.s32 s3, s9;
	s6 =	sadd.s32 @!p0 $0x88, s6;
	s7 =	simm.s32 @p2 $0x1082  }
0x22: {  	[simem:s7], [sflag:s8] =	dma.local @!p0 [hbm:s6], $0xF7A  }
0x23: {  	s9 =	sor.u32 $0xD0000000, s2;
	s6 =	simm.s32 $0x108;
	_ =	swait.ge @!p0 [sflag:s8], $0x0  }
0x24: {  	s3 =	sadd.s32 $0x88, s3;
	s6 =	simm.s32 @!p1 $0x1082;
	[sflag:s4] =	ssyncset.s32 $0xFFFFF086  }
0x25: {  	[simem:s6], [sflag:s4] =	dma.local [hbm:s3], $0xF7A  }
0x26: {  	[smem:$0x3F9B] =	sst s1;
	(tag) =	ssettag s2;
	_ =	strace s9  }
0x27: {  	s1 =	sld [smem:$0x3FAB]  }
0x28: {  	s2 =	sld [smem:$0x3FAC]  }
0x29: {  	s4 =	sld [smem:$0x3FAE]  }
0x2a: {  	p0 =	seq.s32 s5, $0x0;
	s5 =	sld [smem:$0x3FAF]  }
0x2b: {  	s6 =	sld [smem:$0x3FB0]  }
0x2c: {  	s7 =	sld [smem:$0x3FB1]  }
0x2d: {  	s3 =	simm.s32 $0x108;
	s8 =	sld [smem:$0x3FB2]  }
0x2e: {  	s3 =	simm.s32 @!p0 $0x1082;
	s9 =	sld [smem:$0x3FB3]  }
0x2f: {  	lr =	sadd.s32 s0, s3;
	s0 =	sld [smem:$0x3FAA]  }
0x30: {  	s3 =	sld [smem:$0x3FAD]  }
0x31: {  	[smem:$0x3FB6] =	sst s10  }
0x32: {  	s10 =	sld [smem:$0x3FB4];
	_ =	sdelay $0x3  }
0x33: {  	p0 =	seq.s32 s10, $0x1;
	s10 =	sld [smem:$0x3FB6];
	_ =	sdelay $0x3  }
0x34: {  	[smem:$0x3FB6] =	sst s10  }
0x35: {  	s10 =	sld [smem:$0x3FB5];
	_ =	sdelay $0x3  }
0x36: {  	p1 =	seq.s32 s10, $0x1;
	s10 =	sld [smem:$0x3FB6];
	_ =	sdelay $0x3  }
0x37: {  	[smem:$0x3FB6] =	sst s10  }
0x38: {  	s10 =	sld [smem:$0x3FB7]  }
0x39: {  	_ = 	snop;
	(pc) =	sbr.ind lr, $3  }
0x3a: {  	_ = 	snop  }
0x3b: {  	_ = 	snop  }
0x3c: {  	p2 =	seq.s32 s10, $0x1;
	s10 =	sld [smem:$0x3FB6]  }
0x3d: {  	_ =	shalt  }
0x3e: {  	_ =	shalt  }
0x3f: {  	_ =	shalt  }
0x40: {  	_ =	shalt  }
0x41: {  	_ =	shalt  }
0x42: {  	_ =	shalt  }
0x43: {  	_ =	shalt  }
0x44: {  	_ =	shalt  }
0x45: {  	_ =	shalt  }
0x46: {  	_ =	shalt  }
0x47: {  	_ =	shalt  }
0x48: {  	_ =	shalt  }
0x49: {  	_ =	shalt  }
0x4a: {  	_ =	shalt  }
0x4b: {  	_ =	shalt  }
0x4c: {  	_ =	shalt  }
0x4d: {  	_ =	shalt  }
0x4e: {  	_ =	shalt  }
0x4f: {  	_ =	shalt  }
0x50: {  	_ =	shalt  }
0x51: {  	_ =	shalt  }
0x52: {  	_ =	shalt  }
0x53: {  	_ =	shalt  }
0x54: {  	_ =	shalt  }
0x55: {  	_ =	shalt  }
0x56: {  	_ =	shalt  }
0x57: {  	_ =	shalt  }
0x58: {  	_ =	shalt  }
0x59: {  	_ =	shalt  }
0x5a: {  	_ =	shalt  }
0x5b: {  	_ =	shalt  }
0x5c: {  	_ =	shalt  }
0x5d: {  	_ =	shalt  }
0x5e: {  	_ =	shalt  }
0x5f: {  	_ =	shalt  }
0x60: {  	_ =	shalt  }
0x61: {  	_ =	shalt  }
0x62: {  	_ =	shalt  }
0x63: {  	_ =	shalt  }
0x64: {  	_ =	shalt  }
0x65: {  	_ =	shalt  }
0x66: {  	_ =	shalt  }
0x67: {  	_ =	shalt  }
0x68: {  	_ =	shalt  }
0x69: {  	_ =	shalt  }
0x6a: {  	_ =	shalt  }
0x6b: {  	_ =	shalt  }
0x6c: {  	_ =	shalt  }
0x6d: {  	_ =	shalt  }
0x6e: {  	_ =	shalt  }
0x6f: {  	_ =	shalt  }
0x70: {  	_ =	shalt  }
0x71: {  	_ =	shalt  }
0x72: {  	_ =	shalt  }
0x73: {  	_ =	shalt  }
0x74: {  	_ =	shalt  }
0x75: {  	_ =	shalt  }
0x76: {  	_ =	shalt  }
0x77: {  	_ =	shalt  }
0x78: {  	_ =	shalt  }
0x79: {  	_ =	shalt  }
0x7a: {  	_ =	shalt  }
0x7b: {  	_ =	shalt  }
0x7c: {  	_ =	shalt  }
0x7d: {  	_ =	shalt  }
0x7e: {  	_ =	shalt  }
0x7f: {  	_ =	shalt  }
0x80: {  	_ =	shalt  }
0x81: {  	_ =	shalt  }
0x82: {  	_ =	shalt  }
0x83: {  	_ =	shalt  }
0x84: {  	_ =	shalt  }
0x85: {  	_ =	shalt  }
0x86: {  	_ =	shalt  }
0x87: {  	_ =	shalt  }
.Lfunc_end0:
.L_simem_size_0:
called_computation_lowered:
.L_overlay_start_0:
0x88: {  	s2 =	sld [smem:$0x3FD9]  }
0x89: {  	s3 =	sld [smem:$0x3FFE];
	_ =	sdelay $0x1  }
0x8a: {  	s1 =	srdreg.scid  }
0x8b: {  	s0 =	sand.u32 $0x1, s1  }
0x8c: {  	s17 =	sshll.u32 s0, $0xA;
	s2 =	sadd.s32 s3, s2  }
0x8d: {  	s2 =	sadd.s32 s2, s17  }
0x8e: {  	[smem:$0x3FC2] =	sst s2  }
0x8f: {  	_ = 	snop  }
0x90: {  	s2 =	sld [smem:$0x3FD0];
	(tm) =	ssettm $0x1  }
0x91: {  	s18 =	sld [smem:$0x3FFB];
	_ =	sdelay $0x3  }
0x92: {  	_ =	strace s18  }
0x93: {  	s3 =	sld [smem:$0x3FFC];
	_ =	sdelay $0x3  }
0x94: {  	_ =	strace s3  }
0x95: {  	s3 =	sld [smem:$0x3FFD];
	_ =	sdelay $0x3  }
0x96: {  	_ =	strace s3  }
0x97: {  	_ =	strace $0x8FFFFFFF  }
0x98: {  	s19 =	sld [smem:$0x3FDB];
	_ =	sdelay $0x1  }
0x99: {  	s4 =	simm.s32 $_scs_section_size  }
0x9a: {  	s5 =	simm.s32 $_size__tile_overlayer_lowered;
	s6 =	simm.s32 $_tile_overlayer_lowered  }
0x9b: {  	s22 =	simm.s32 $0x1BFF;
	s21 =	sshll.u32 s6, $0x1;
	s3 =	sadd.s32 s4, s19  }
0x9c: {  	s7 =	simm.s32 $0x0;
	s20 =	sshll.u32 s5, $0x1;
	s5 =	sadd.s32 s21, s3  }
0x9d: {  	[timem:s7], [sflag:s22] =	dma.local [hbm:s5], s20  }
0x9e: {  	_ =	swait.ge [sflag:s22], s20  }
0x9f: {  	s4 =	ssub.s32 $0x0, s20;
	[sflag:s22] =	ssyncset.done $0x0  }
0xa0: {  	[sflag:s22] =	ssyncadd.s32 s4;
	_ =	sdelay $0x1  }
0xa1: {  	s23 =	simm.s32 $0x1B8B  }
0xa2: {  	_ =	swait.ge [sflag:s23], $0x1  }
0xa3: {  	[sflag:s23] =	ssyncset.done $0x0  }
0xa4: {  	s25 =	simm.s32 $0x1B8E;
	s24 =	sld [smem:$0x3FFE];
	[sflag:s23] =	ssyncadd.s32 $0xFFFFFFFF  }
0xa5: {  	s26 =	simm.s32 $execute0_lowered;
	[smem:$0x3FD2] =	sst s25  }
0xa6: {  	s5 =	sshll.u32 s26, $0x1;
	_ =	strace $0x80000046;
	[dreg:$0x1] =	wrdreg $0xFFFFFFFF  }
0xa7: {  	s28 =	simm.s32 $_size_execute0_lowered;
	s3 =	sadd.s32 s3, s5;
	[dreg:$0x0] =	wrdreg $0x0  }
0xa8: {  	s5 =	sshll.u32 s28, $0x1;
	[dreg:$0x2] =	wrdreg s3  }
0xa9: {  	[dreg:$0x3] =	wrdreg s5  }
0xaa: {  	[dreg:$0x4] =	wrdreg $0xC0  }
0xab: {  	_ =	task [dreg:s7], $0x5FFFF  }
0xac: {  	[dreg:$0x1] =	wrdreg $0xFFFFFFFF  }
0xad: {  	[dreg:$0x0] =	wrdreg $0x60  }
0xae: {  	[dreg:$0x2] =	wrdreg s24  }
0xaf: {  	[dreg:$0x3] =	wrdreg s2  }
0xb0: {  	[dreg:$0x4] =	wrdreg $0x1BD00  }
0xb1: {  	[dreg:$0x5] =	wrdreg $0x9  }
0xb2: {  	_ =	task.clear_ibuf [dreg:s7], $0x6FFFF;
	_ =	strace $0x90000046  }
0xb3: {  	s29 =	simm.s32 $0x9;
	_ =	strace $0x80000048  }
0xb4: {  	_ =	swait.ge [sflag:s29], $0x1  }
0xb5: {  	[sflag:s29] =	ssyncadd.s32 $0xFFFFFFFF  }
0xb6: {  	_ =	strace $0x90000048  }
0xb7: {  	_ =	sfence  }
0xb8: {  	s30 =	sld [smem:$0x0];
	_ =	sdelay $0x2  }
0xb9: {  	s31 =	sshll.u32 s1, $0xD;
	s1 =	sshrl.u32 s1, $0x2  }
0xba: {  	s3 =	sand.u32 $0x4000, s31;
	s1 =	sadd.s32 s1, s30  }
0xbb: {  	s0 =	sor.u32 s3, s0;
	s1 =	sshll.u32 s1, $0x11  }
0xbc: {  	s0 =	sor.u32 s1, s0  }
0xbd: {  	s0 =	sadd.s32 $0x8F2B, s0  }
0xbe: {  	[sflag:s0] =	ssyncadd.remote.s32 $0x1  }
0xbf: {  	_ =	sfence.sel $0xFFFF  }
0xc0: {  	[dreg:$0x0] =	wrdreg $0xFFFFFFFF;
	(pc) =	sbr.abs _section_cstart, $3  }
0xc1: {  	[dreg:$0x1] =	wrdreg $0xFFFFFFFF  }
0xc2: {  	_ =	task.clear_ibuf [dreg:s7], $0x2FFFF;
	_ =	strace $0x9FFFFFFF  }
0xc3: {  	(tm) =	ssettm $0x7FFFFFFF  }
tec
execute0_lowered:
.L_overlay_start_1:
0x0: {  	(tag) =	ssettag $0x1  }
0x1: {  	s0 =	rddreg [dreg:$0x0]  }
0x2: {  	s3 =	rddreg [dreg:$0x2]  }
0x3: {  	s10 =	stileid.u32;
	s1 =	srdreg.scid;
	s4 =	simm.s32 $0x0  }
0x4: {  	s11 =	simm.s32 $0x2;
	s12 =	simm.s32 $0x1400;
	s13 =	simm.s32 $0x7D  }
0x5: {  	s16 =	simm.s32 $0xB80;
	s17 =	simm.s32 $0xC00;
	s18 =	simm.s32 $0xC80  }
0x6: {  	s19 =	simm.s32 $0xD00;
	s20 =	simm.s32 $0xD80;
	s21 =	simm.s32 $0xE00  }
0x7: {  	s22 =	simm.s32 $0xE80;
	s23 =	simm.s32 $0xF00;
	s24 =	simm.s32 $0xF80  }
0x8: {  	s25 =	simm.s32 $0x1000;
	s28 =	simm.s32 $0x1100;
	s29 =	simm.s32 $0x1180  }
0x9: {  	s30 =	simm.s32 $0x1200;
	s31 =	simm.s32 $0x1280;
	s14 =	simm.s32 $0x0  }
0xa: {  	s2 =	smul.u32 $0x2800, s10;
	s1 =	sand.u32 $0x1, s1;
	[smem:$0x7FF] =	sst s4  }
0xb: {  	s26 =	sshll.u32 s10, $0x6;
	s5 =	smul.u32 $0x28000, s1;
	_ =	strace $0x80000047  }
0xc: {  	s7 =	sshll.u32 s1, $0x4;
	s1 =	ssub.s32 $0x2, s1;
	s6 =	sshrl.u32 s2, $0x3  }
0xd: {  	s7 =	sor.u32 s10, s7;
	s8 =	sshrl.u32 s1, $0x1;
	s5 =	sadd.s32 s2, s5  }
0xe: {  	s7 =	smul.u32 $0x1400, s7;
	s6 =	sadd.s32 s6, s0;
	s2 =	sadd.s32 s2, s3  }
0xf: {  	s1 =	ssub.s32 s1, s8;
	s5 =	sshrl.u32 s5, $0x3;
	s10 =	sshrl.u32 s2, $0x3  }
0x10: {  	s2 =	simm.s32 $0x1;
	s9 =	sadd.s32 s5, s0;
	s7 =	sshrl.u32 s7, $0x3  }
0x11: {  	s5 =	sadd.s32 $0xC600, s6;
	s6 =	sor.u32 $0x1C02, s26;
	s26 =	simm.s32 $0x1080  }
0x12: {  	s0 =	sadd.s32 s0, s7;
	s8 =	sadd.s32 $0x11600, s9;
	s9 =	smax.u32 s1, $0x1  }
0x13: {  	s1 =	simm.s32 $0x1380;
	s7 =	sadd.s32 $0x7600, s0;
	s0 =	simm.s32 $0x1300  }
.LBB2_1:
0x14: {  	[spmem:s10], [sflag:s6] =	dma.local [hbm:s5], $0x500  }
0x15: {  	_ =	swait.ge [sflag:s11], $0x500  }
0x16: {  	[sflag:s11] =	ssyncset.done $0x0  }
0x17: {  	[sflag:s11] =	ssyncadd.s32 $0xFFFFFB00  }
0x18: {  	s15 =	rddreg [dreg:$0x1]  }
0x19: {  	[tilespmem:s12], [sflag:$0x2] =	stream.linear.gather [hbm4b:s15+s4], $0x7D0, $0x38;
	[tilespmem:$0x43D0] =	vst v63  }
0x1a: {  	_ =	swait.ge [sflag:s11], $0x7D0  }
0x1b: {  	[sflag:s11] =	ssyncset.done $0x0  }
0x1c: {  	[sflag:s11] =	ssyncadd.s32 $0xFFFFF830  }
0x1d: {  	[tilespmem:s4], [sflag:$0x2] =	stream.linear.gather [hbm4b:s7+s4], $0x1400, $0x38;
	[tilespmem:$0x43D0] =	vst v63  }
0x1e: {  	_ =	swait.ge [sflag:s11], $0x1400  }
0x1f: {  	[sflag:s11] =	ssyncset.done $0x0  }
0x20: {  	[sflag:s11] =	ssyncadd.s32 $0xFFFFEC00  }
0x21: {  	[bflag:$0x0] =	sbarrier.arrive $0xFFFF  }
0x22: {  	[spmem:s3] =	stream.indirect.scatter.add.f32 [tilespmem:s12], [sflag:$0x1], $0x10, s4, s13, $0xb8;
	[tilespmem:$0x43D0] =	vst v63  }
0x23: {  	s15 =	simm.s32 $0x80  }
0x24: {  	[spmem:s3] =	stream.indirect.scatter.add.f32 [tilespmem:s12], [sflag:$0x1], $0x10, s15, s13, $0xb8;
	[tilespmem:$0x43D0] =	vst v63  }
0x25: {  	s15 =	simm.s32 $0x100  }
0x26: {  	[spmem:s3] =	stream.indirect.scatter.add.f32 [tilespmem:s12], [sflag:$0x1], $0x10, s15, s13, $0xb8;
	[tilespmem:$0x43D0] =	vst v63  }
0x27: {  	s15 =	simm.s32 $0x180  }
0x28: {  	[spmem:s3] =	stream.indirect.scatter.add.f32 [tilespmem:s12], [sflag:$0x1], $0x10, s15, s13, $0xb8;
	[tilespmem:$0x43D0] =	vst v63  }
0x29: {  	s15 =	simm.s32 $0x200  }
0x2a: {  	[spmem:s3] =	stream.indirect.scatter.add.f32 [tilespmem:s12], [sflag:$0x1], $0x10, s15, s13, $0xb8;
	[tilespmem:$0x43D0] =	vst v63  }
0x2b: {  	s15 =	simm.s32 $0x280  }
0x2c: {  	[spmem:s3] =	stream.indirect.scatter.add.f32 [tilespmem:s12], [sflag:$0x1], $0x10, s15, s13, $0xb8;
	[tilespmem:$0x43D0] =	vst v63  }
0x2d: {  	s15 =	simm.s32 $0x300  }
0x2e: {  	[spmem:s3] =	stream.indirect.scatter.add.f32 [tilespmem:s12], [sflag:$0x1], $0x10, s15, s13, $0xb8;
	[tilespmem:$0x43D0] =	vst v63  }
0x2f: {  	s15 =	simm.s32 $0x380  }
0x30: {  	[spmem:s3] =	stream.indirect.scatter.add.f32 [tilespmem:s12], [sflag:$0x1], $0x10, s15, s13, $0xb8;
	[tilespmem:$0x43D0] =	vst v63  }
0x31: {  	s15 =	simm.s32 $0x400  }
0x32: {  	[spmem:s3] =	stream.indirect.scatter.add.f32 [tilespmem:s12], [sflag:$0x1], $0x10, s15, s13, $0xb8;
	[tilespmem:$0x43D0] =	vst v63  }
0x33: {  	s15 =	simm.s32 $0x480  }
0x34: {  	[spmem:s3] =	stream.indirect.scatter.add.f32 [tilespmem:s12], [sflag:$0x1], $0x10, s15, s13, $0xb8;
	[tilespmem:$0x43D0] =	vst v63  }
0x35: {  	s15 =	simm.s32 $0x500  }
0x36: {  	[spmem:s3] =	stream.indirect.scatter.add.f32 [tilespmem:s12], [sflag:$0x1], $0x10, s15, s13, $0xb8;
	[tilespmem:$0x43D0] =	vst v63  }
0x37: {  	s15 =	simm.s32 $0x580  }
0x38: {  	[spmem:s3] =	stream.indirect.scatter.add.f32 [tilespmem:s12], [sflag:$0x1], $0x10, s15, s13, $0xb8;
	[tilespmem:$0x43D0] =	vst v63  }
0x39: {  	s15 =	simm.s32 $0x600  }
0x3a: {  	[spmem:s3] =	stream.indirect.scatter.add.f32 [tilespmem:s12], [sflag:$0x1], $0x10, s15, s13, $0xb8;
	[tilespmem:$0x43D0] =	vst v63  }
0x3b: {  	s15 =	simm.s32 $0x680  }
0x3c: {  	[spmem:s3] =	stream.indirect.scatter.add.f32 [tilespmem:s12], [sflag:$0x1], $0x10, s15, s13, $0xb8;
	[tilespmem:$0x43D0] =	vst v63  }
0x3d: {  	s15 =	simm.s32 $0x700  }
0x3e: {  	[spmem:s3] =	stream.indirect.scatter.add.f32 [tilespmem:s12], [sflag:$0x1], $0x10, s15, s13, $0xb8;
	[tilespmem:$0x43D0] =	vst v63  }
0x3f: {  	s15 =	simm.s32 $0x780  }
0x40: {  	[spmem:s3] =	stream.indirect.scatter.add.f32 [tilespmem:s12], [sflag:$0x1], $0x10, s15, s13, $0xb8;
	[tilespmem:$0x43D0] =	vst v63  }
0x41: {  	s15 =	simm.s32 $0x800  }
0x42: {  	[spmem:s3] =	stream.indirect.scatter.add.f32 [tilespmem:s12], [sflag:$0x1], $0x10, s15, s13, $0xb8;
	[tilespmem:$0x43D0] =	vst v63  }
0x43: {  	s15 =	simm.s32 $0x880  }
0x44: {  	[spmem:s3] =	stream.indirect.scatter.add.f32 [tilespmem:s12], [sflag:$0x1], $0x10, s15, s13, $0xb8;
	[tilespmem:$0x43D0] =	vst v63  }
0x45: {  	s15 =	simm.s32 $0x900  }
0x46: {  	[spmem:s3] =	stream.indirect.scatter.add.f32 [tilespmem:s12], [sflag:$0x1], $0x10, s15, s13, $0xb8;
	[tilespmem:$0x43D0] =	vst v63  }
0x47: {  	s15 =	simm.s32 $0x980  }
0x48: {  	[spmem:s3] =	stream.indirect.scatter.add.f32 [tilespmem:s12], [sflag:$0x1], $0x10, s15, s13, $0xb8;
	[tilespmem:$0x43D0] =	vst v63  }
0x49: {  	s15 =	simm.s32 $0xA00  }
0x4a: {  	[spmem:s3] =	stream.indirect.scatter.add.f32 [tilespmem:s12], [sflag:$0x1], $0x10, s15, s13, $0xb8;
	[tilespmem:$0x43D0] =	vst v63  }
0x4b: {  	s15 =	simm.s32 $0xA80  }
0x4c: {  	[spmem:s3] =	stream.indirect.scatter.add.f32 [tilespmem:s12], [sflag:$0x1], $0x10, s15, s13, $0xb8;
	[tilespmem:$0x43D0] =	vst v63  }
0x4d: {  	s15 =	simm.s32 $0xB00  }
0x4e: {  	[spmem:s3] =	stream.indirect.scatter.add.f32 [tilespmem:s12], [sflag:$0x1], $0x10, s15, s13, $0xb8;
	[tilespmem:$0x43D0] =	vst v63  }
0x4f: {  	_ = 	snop  }
0x50: {  	[spmem:s3] =	stream.indirect.scatter.add.f32 [tilespmem:s12], [sflag:$0x1], $0x10, s16, s13, $0xb8;
	[tilespmem:$0x43D0] =	vst v63  }
0x51: {  	_ = 	snop  }
0x52: {  	[spmem:s3] =	stream.indirect.scatter.add.f32 [tilespmem:s12], [sflag:$0x1], $0x10, s17, s13, $0xb8;
	[tilespmem:$0x43D0] =	vst v63  }
0x53: {  	_ = 	snop  }
0x54: {  	[spmem:s3] =	stream.indirect.scatter.add.f32 [tilespmem:s12], [sflag:$0x1], $0x10, s18, s13, $0xb8;
	[tilespmem:$0x43D0] =	vst v63  }
0x55: {  	_ = 	snop  }
0x56: {  	[spmem:s3] =	stream.indirect.scatter.add.f32 [tilespmem:s12], [sflag:$0x1], $0x10, s19, s13, $0xb8;
	[tilespmem:$0x43D0] =	vst v63  }
0x57: {  	_ = 	snop  }
0x58: {  	[spmem:s3] =	stream.indirect.scatter.add.f32 [tilespmem:s12], [sflag:$0x1], $0x10, s20, s13, $0xb8;
	[tilespmem:$0x43D0] =	vst v63  }
0x59: {  	_ = 	snop  }
0x5a: {  	[spmem:s3] =	stream.indirect.scatter.add.f32 [tilespmem:s12], [sflag:$0x1], $0x10, s21, s13, $0xb8;
	[tilespmem:$0x43D0] =	vst v63  }
0x5b: {  	_ = 	snop  }
0x5c: {  	[spmem:s3] =	stream.indirect.scatter.add.f32 [tilespmem:s12], [sflag:$0x1], $0x10, s22, s13, $0xb8;
	[tilespmem:$0x43D0] =	vst v63  }
0x5d: {  	_ = 	snop  }
0x5e: {  	[spmem:s3] =	stream.indirect.scatter.add.f32 [tilespmem:s12], [sflag:$0x1], $0x10, s23, s13, $0xb8;
	[tilespmem:$0x43D0] =	vst v63  }
0x5f: {  	_ = 	snop  }
0x60: {  	[spmem:s3] =	stream.indirect.scatter.add.f32 [tilespmem:s12], [sflag:$0x1], $0x10, s24, s13, $0xb8;
	[tilespmem:$0x43D0] =	vst v63  }
0x61: {  	_ = 	snop  }
0x62: {  	[spmem:s3] =	stream.indirect.scatter.add.f32 [tilespmem:s12], [sflag:$0x1], $0x10, s25, s13, $0xb8;
	[tilespmem:$0x43D0] =	vst v63  }
0x63: {  	_ = 	snop  }
0x64: {  	[spmem:s3] =	stream.indirect.scatter.add.f32 [tilespmem:s12], [sflag:$0x1], $0x10, s26, s13, $0xb8;
	[tilespmem:$0x43D0] =	vst v63  }
0x65: {  	_ = 	snop  }
0x66: {  	[spmem:s3] =	stream.indirect.scatter.add.f32 [tilespmem:s12], [sflag:$0x1], $0x10, s28, s13, $0xb8;
	[tilespmem:$0x43D0] =	vst v63  }
0x67: {  	_ = 	snop  }
0x68: {  	[spmem:s3] =	stream.indirect.scatter.add.f32 [tilespmem:s12], [sflag:$0x1], $0x10, s29, s13, $0xb8;
	[tilespmem:$0x43D0] =	vst v63  }
0x69: {  	_ = 	snop  }
0x6a: {  	[spmem:s3] =	stream.indirect.scatter.add.f32 [tilespmem:s12], [sflag:$0x1], $0x10, s30, s13, $0xb8;
	[tilespmem:$0x43D0] =	vst v63  }
0x6b: {  	_ = 	snop  }
0x6c: {  	[spmem:s3] =	stream.indirect.scatter.add.f32 [tilespmem:s12], [sflag:$0x1], $0x10, s31, s13, $0xb8;
	[tilespmem:$0x43D0] =	vst v63  }
0x6d: {  	_ = 	snop  }
0x6e: {  	[spmem:s3] =	stream.indirect.scatter.add.f32 [tilespmem:s12], [sflag:$0x1], $0x10, s0, s13, $0xb8;
	[tilespmem:$0x43D0] =	vst v63  }
0x6f: {  	_ = 	snop  }
0x70: {  	[spmem:s3] =	stream.indirect.scatter.add.f32 [tilespmem:s12], [sflag:$0x1], $0x10, s1, s13, $0xb8;
	[tilespmem:$0x43D0] =	vst v63  }
0x71: {  	_ =	swait.ge [sflag:s2], $0x7D0  }
0x72: {  	s15 =	simm.s32 $0x27;
	[sflag:s2] =	ssyncset.done $0x0  }
.LBB2_2:
0x73: {  	p0 =	sne.s32 s15, $0x1;
	s15 =	sadd.s32 $0xFFFFFFFF, s15;
	[sflag:s2] =	ssyncadd.s32 $0xFFFFF830  }
.Ltmp0:
0x74: {  	(pc) =	sbr.rel @p0 .LBB2_2-.Ltmp0, $3  }
0x75: {  	_ =	sdelay $0x1  }
0x76: {  	_ =	swait.ge [sflag:s2], $0x7D0  }
0x77: {  	[sflag:s2] =	ssyncset.done $0x0  }
0x78: {  	s14 =	sadd.s32 $0x1, s14  }
0x79: {  	[sflag:s2] =	ssyncadd.s32 $0xFFFFF830;
	p0 =	sne.s32 s14, s9  }
.Ltmp1:
0x7a: {  	[bflag:$0x0] =	sbarrier.arrive $0xFFFF;
	(pc) =	sbr.rel @p0 .LBB2_1-.Ltmp1, $4  }
0x7b: {  	[hbm:s8], [sflag:s6] =	dma.local [spmem:s10], $0x500  }
0x7c: {  	_ =	swait.ge [sflag:s11], $0x500  }
0x7d: {  	[sflag:s11] =	ssyncset.done $0x0  }
0x7e: {  	[sflag:s11] =	ssyncadd.s32 $0xFFFFFB00  }
0x7f: {  	_ =	sfence.sel $0x180000  }
0x80: {  	[bflag:$0x0] =	sbarrier.arrive $0xFFFF  }
0x81: {  	_ =	strace $0x90000047  }
0x82: {  	s0 =	stileid.u32;
	[bflag:$0x2] =	sbarrier.arrive $0xFFFF  }
0x83: {  	p0 =	sne.s32 s0, $0x0;
	s0 =	rddreg [dreg:$0x3]  }
0x84: {  	s0 =	sadd.s32 @!p0 $0x100000, s0  }
0x85: {  	[sflag:s0] =	ssyncadd.tile.s32 @!p0 $0x1;
	_ =	shalt  }
.Lfunc_end2:
_tile_overlayer_lowered:
.L_overlay_start_2:
0x86: {  	(tag) =	ssettag $0x2  }
0x87: {  	s0 =	rddreg [dreg:$0x0];
	s2 =	stileid.u32  }
0x88: {  	s1 =	rddreg [dreg:$0x1];
	p0 =	sne.s32 s2, $0x0  }
0x89: {  	s3 =	rddreg [dreg:$0x2];
	[bflag:$0x3] =	sbarrier.arrive $0xFFFF;
	s2 =	simm.s32 @!p0 $0x1C02  }
0x8a: {  	[timem:s3], [sflag:s2] =	dma.local @!p0 [hbm:s0], s1  }
0x8b: {  	s0 =	simm.s32 @!p0 $0x2  }
0x8c: {  	_ =	swait.ge @!p0 [sflag:s0], s1  }
0x8d: {  	s1 =	ssub.s32 @!p0 $0x0, s1;
	[sflag:s0] =	ssyncset.done @!p0 $0x0  }
0x8e: {  	[sflag:s0] =	ssyncadd.s32 @!p0 s1  }
0x8f: {  	[bflag:$0x3] =	sbarrier.arrive $0xFFFF  }
0x90: {  	_ =	shalt  }

</sc_bundles>
